<compile_context>
chip_gen: v7x
topology: tpu7x:2x2x1
jax: 0.10.2.dev20260603
libtpu: 0.0.44.dev20260713+nightly
codegen_flags: <defaults>
</compile_context>

<pallas_src>
import functools

import jax
import jax.numpy as jnp
from jax import lax
from jax.experimental import pallas as pl
from jax.experimental.pallas import tpu as pltpu
from jax.experimental.pallas import tpu_sc as plsc

VOCAB = 671
D = 768
SEQ = 7
BATCH = 16384
ROWS = BATCH * SEQ
SC_POS = 5
TC_POS = SEQ - SC_POS
SC_ROWS = SC_POS * BATCH
NW = 32
R_PER_TILE = SC_ROWS // NW
CHUNK = 64
NCH = R_PER_TILE // CHUNK
BLK = 512
NBLK = BATCH // BLK


def _prep_body(tok_ref, pos_ref, gamma_ref, beta_ref, out_ref):
    emb = tok_ref[...] + pos_ref[0]
    mean = jnp.mean(emb, axis=-1, keepdims=True)
    cen = emb - mean
    var = jnp.mean(cen * cen, axis=-1, keepdims=True)
    normed = cen * lax.rsqrt(var + 1e-5)
    out_ref[...] = (normed * gamma_ref[...] + beta_ref[...])[None]


_prep = pl.pallas_call(
    _prep_body,
    grid=(SEQ,),
    in_specs=[
        pl.BlockSpec((VOCAB, D), lambda s: (0, 0)),
        pl.BlockSpec((1, 1, D), lambda s: (s, 0, 0)),
        pl.BlockSpec((1, D), lambda s: (0, 0)),
        pl.BlockSpec((1, D), lambda s: (0, 0)),
    ],
    out_specs=pl.BlockSpec((1, VOCAB, D), lambda s: (s, 0, 0)),
    out_shape=jax.ShapeDtypeStruct((SEQ, VOCAB, D), jnp.float32),
)


def _tc_body(idx_ref, table_ref, out_ref):
    idx = idx_ref[0, 0, 0]
    ohT = (
        lax.broadcasted_iota(jnp.int32, (VOCAB, BLK), 0) == idx[None, :]
    ).astype(jnp.bfloat16)
    tab = table_ref[0].astype(jnp.bfloat16)
    out_ref[...] = lax.dot_general(
        ohT, tab, (((0,), (0,)), ((), ())),
        preferred_element_type=jnp.float32,
    )


_tc_gather = pl.pallas_call(
    _tc_body,
    grid=(TC_POS, NBLK),
    in_specs=[
        pl.BlockSpec((1, 1, 1, BLK), lambda p, b: (p, b, 0, 0)),
        pl.BlockSpec((1, VOCAB, D), lambda p, b: (SC_POS + p, 0, 0)),
    ],
    out_specs=pl.BlockSpec((BLK, D), lambda p, b: (p * NBLK + b, 0)),
    out_shape=jax.ShapeDtypeStruct((TC_POS * BATCH, D), jnp.float32),
)


def _make_sc_gather():
    mesh = plsc.VectorSubcoreMesh(core_axis_name="c", subcore_axis_name="s")

    @functools.partial(
        pl.kernel,
        mesh=mesh,
        out_type=jax.ShapeDtypeStruct((ROWS, D), jnp.float32),
        scratch_types=[
            pltpu.VMEM((NCH, CHUNK), jnp.int32),
            pltpu.VMEM((CHUNK, D), jnp.float32),
            pltpu.VMEM((CHUNK, D), jnp.float32),
            pltpu.SemaphoreType.DMA,
            pltpu.SemaphoreType.DMA,
            pltpu.SemaphoreType.DMA,
            pltpu.SemaphoreType.DMA,
        ],
    )
    def k(table_hbm, idx_hbm, out_hbm, idx_v, buf0, buf1, g0, g1, s0, s1):
        wid = lax.axis_index("s") * 2 + lax.axis_index("c")
        base = wid * R_PER_TILE
        pltpu.sync_copy(idx_hbm.at[wid], idx_v)

        bufs = (buf0, buf1)
        gsems = (g0, g1)
        ssems = (s0, s1)

        def start_g(b, j):
            pltpu.async_copy(table_hbm.at[idx_v.at[j]], bufs[b], gsems[b])

        def wait_g(b):
            pltpu.make_async_copy(
                table_hbm.at[idx_v.at[0]], bufs[b], gsems[b]
            ).wait()

        def start_s(b, j):
            pltpu.async_copy(
                bufs[b], out_hbm.at[pl.ds(base + j * CHUNK, CHUNK)], ssems[b]
            )

        def wait_s(b):
            pltpu.make_async_copy(
                bufs[b], out_hbm.at[pl.ds(base, CHUNK)], ssems[b]
            ).wait()

        start_g(0, 0)
        wait_g(0)
        start_g(1, 1)
        start_s(0, 0)

        def group(g, carry):
            j1 = 2 * g + 1
            wait_g(1)
            wait_s(0)
            start_g(0, j1 + 1)
            start_s(1, j1)
            wait_g(0)
            wait_s(1)
            start_g(1, j1 + 2)
            start_s(0, j1 + 1)
            return carry

        lax.fori_loop(0, (NCH - 2) // 2, group, 0)

        wait_g(1)
        wait_s(0)
        start_s(1, NCH - 1)
        wait_s(1)

    return k


_sc_gather = _make_sc_gather()


def kernel(x, tok_table, pos_table, gamma, beta):
    combined = _prep(
        tok_table,
        pos_table.reshape(SEQ, 1, D),
        gamma.reshape(1, D),
        beta.reshape(1, D),
    )
    flat_table = combined.reshape(SEQ * VOCAB, D)
    xt = x.astype(jnp.int32).T
    idx_low = (
        xt[:SC_POS] + jnp.arange(SC_POS, dtype=jnp.int32)[:, None] * VOCAB
    ).reshape(NW, NCH, CHUNK)
    sc_out = _sc_gather(flat_table, idx_low)
    idx_high = xt[SC_POS:].reshape(TC_POS, NBLK, 1, BLK)
    tc_part = _tc_gather(idx_high, combined)
    out = lax.dynamic_update_slice(
        sc_out, tc_part, (jnp.int32(SC_ROWS), jnp.int32(0))
    )
    return out.reshape(SEQ, BATCH, D).transpose(1, 0, 2)

# --- scband reference (transcript-rebuilt; emitter-appended) ---
"""Pipeline reference for scband-palette-embedder-73100343377940 (READ-ONLY COPY).

The authoritative reference and input builder live on the scoring server;
editing this copy changes nothing except your own understanding.
"""

import jax, jax.numpy as jnp
import numpy as np

VOCAB = 671
D_MODEL = 768
SEQ_LEN = 7
BATCH = 16384


def setup_inputs(seed: int = 0) -> dict:
    key = jax.random.key(seed)
    k1, k2, k3 = jax.random.split(key, 3)
    x = jax.random.randint(k1, (BATCH, SEQ_LEN), 0, VOCAB, dtype=jnp.int64 if jax.config.jax_enable_x64 else jnp.int32)
    tok_table = jax.random.normal(k2, (VOCAB, D_MODEL), dtype=jnp.float32)
    pos_table = jax.random.normal(k3, (SEQ_LEN, D_MODEL), dtype=jnp.float32)
    gamma = jnp.ones((D_MODEL,), dtype=jnp.float32)
    beta = jnp.zeros((D_MODEL,), dtype=jnp.float32)
    return {"x": x, "tok_table": tok_table, "pos_table": pos_table, "gamma": gamma, "beta": beta}


def reference(x, tok_table, pos_table, gamma, beta):
    # token embedding lookup
    tok = jnp.take(tok_table, x, axis=0)  # [B, S, D]
    # positional embedding: positions[:seq_len] broadcast over batch
    seq_len = x.shape[1]
    pos = jnp.take(pos_table, jnp.arange(seq_len), axis=0)[None, :, :]  # [1, S, D]
    emb = tok + pos
    # LayerNorm over last dim (torch default eps=1e-5, biased variance)
    mean = jnp.mean(emb, axis=-1, keepdims=True)
    var = jnp.mean((emb - mean) ** 2, axis=-1, keepdims=True)
    normed = (emb - mean) / jnp.sqrt(var + 1e-5)
    return normed * gamma + beta

if __name__ == "__main__":
    import jax
    _d = setup_inputs()
    print(jax.jit(kernel)(*tuple(_d.values())))

</pallas_src>

<mosaic_0001>
#map = affine_map<(d0, d1) -> (0, 0)>
#map1 = affine_map<(d0, d1) -> (0, 0, 0)>
module attributes {stable_mosaic.version = 14 : i64} {
  func.func @k(%arg0: i32, %arg1: i32, %arg2: memref<4697x768xf32, #tpu.memory_space<hbm>>, %arg3: memref<32x40x64xi32, #tpu.memory_space<hbm>>, %arg4: memref<114688x768xf32, #tpu.memory_space<hbm>>, %arg5: memref<40x64xi32, #tpu.memory_space<vmem>>, %arg6: memref<64x768xf32, #tpu.memory_space<vmem>>, %arg7: memref<64x768xf32, #tpu.memory_space<vmem>>, %arg8: memref<!tpu.dma_semaphore, #tpu.memory_space<semaphore_mem>>, %arg9: memref<!tpu.dma_semaphore, #tpu.memory_space<semaphore_mem>>, %arg10: memref<!tpu.dma_semaphore, #tpu.memory_space<semaphore_mem>>, %arg11: memref<!tpu.dma_semaphore, #tpu.memory_space<semaphore_mem>>) attributes {dimension_semantics = [#tpu.dimension_semantics<core_parallel>, #tpu.dimension_semantics<subcore_parallel>], iteration_bounds = array<i64: 2, 16>, scalar_prefetch = 0 : i64, scratch_operands = 7 : i64, tpu.core_type = #tpu.core_type<sc_vector_subcore>, window_params = [{transform_indices = #map}, {transform_indices = #map1}, {transform_indices = #map}]} {
    %mul3A = arith.constant 2 : i32
    %mul3A_0 = arith.muli %arg1, %mul3A : i32
    %add3A = arith.addi %mul3A_0, %arg0 : i32
    %mul3A_1 = arith.constant 2560 : i32
    %mul3A_2 = arith.muli %add3A, %mul3A_1 : i32
    "tpu.region"() ({
      %run_scoped3A = tpu.sem_alloc : memref<!tpu.dma_semaphore, #tpu.memory_space<semaphore_mem>>
      %dma_start3A_54 = arith.constant 0 : i32
      %dma_start3A_55 = arith.constant 0 : i32
      %dma_start3A_56 = tpu.memref_slice %arg3[%add3A, %dma_start3A_54, %dma_start3A_55] : memref<32x40x64xi32, #tpu.memory_space<hbm>> -> memref<1x40x64xi32, #tpu.memory_space<hbm>>
      %dma_start3A_57 = tpu.memref_squeeze %dma_start3A_56 : memref<1x40x64xi32, #tpu.memory_space<hbm>> -> memref<40x64xi32, #tpu.memory_space<hbm>>
      %dma_start3A_58 = arith.constant 0 : i32
      %dma_start3A_59 = arith.constant 0 : i32
      %dma_start3A_60 = tpu.memref_slice %arg3[%add3A, %dma_start3A_58, %dma_start3A_59] : memref<32x40x64xi32, #tpu.memory_space<hbm>> -> memref<1x40x64xi32, #tpu.memory_space<hbm>>
      %dma_start3A_61 = tpu.memref_squeeze %dma_start3A_60 : memref<1x40x64xi32, #tpu.memory_space<hbm>> -> memref<40x64xi32, #tpu.memory_space<hbm>>
      tpu.enqueue_dma source(%dma_start3A_61 : memref<40x64xi32, #tpu.memory_space<hbm>>) target(%arg5 : memref<40x64xi32, #tpu.memory_space<vmem>>) target_semaphore(%run_scoped3A : memref<!tpu.dma_semaphore, #tpu.memory_space<semaphore_mem>>)
      %dma_wait3A_62 = arith.constant 0 : i32
      %dma_wait3A_63 = arith.constant 0 : i32
      %dma_wait3A_64 = tpu.memref_slice %arg3[%add3A, %dma_wait3A_62, %dma_wait3A_63] : memref<32x40x64xi32, #tpu.memory_space<hbm>> -> memref<1x40x64xi32, #tpu.memory_space<hbm>>
      %dma_wait3A_65 = tpu.memref_squeeze %dma_wait3A_64 : memref<1x40x64xi32, #tpu.memory_space<hbm>> -> memref<40x64xi32, #tpu.memory_space<hbm>>
      %dma_wait3A_66 = arith.constant 0 : i32
      %dma_wait3A_67 = arith.constant 0 : i32
      %dma_wait3A_68 = tpu.memref_slice %arg3[%add3A, %dma_wait3A_66, %dma_wait3A_67] : memref<32x40x64xi32, #tpu.memory_space<hbm>> -> memref<1x40x64xi32, #tpu.memory_space<hbm>>
      %dma_wait3A_69 = tpu.memref_squeeze %dma_wait3A_68 : memref<1x40x64xi32, #tpu.memory_space<hbm>> -> memref<40x64xi32, #tpu.memory_space<hbm>>
      tpu.wait_dma2 semaphore(%run_scoped3A : memref<!tpu.dma_semaphore, #tpu.memory_space<semaphore_mem>>) src(%dma_wait3A_69 : memref<40x64xi32, #tpu.memory_space<hbm>>) dst(%arg5 : memref<40x64xi32, #tpu.memory_space<vmem>>)
      tpu.yield
    }) : () -> ()
    %dma_start3A = arith.constant 0 : i32
    %dma_start3A_3 = arith.constant 0 : i32
    %dma_start3A_4 = tpu.memref_slice %arg5[%dma_start3A, %dma_start3A_3] : memref<40x64xi32, #tpu.memory_space<vmem>> -> memref<1x64xi32, #tpu.memory_space<vmem>>
    %dma_start3A_5 = tpu.memref_squeeze %dma_start3A_4 : memref<1x64xi32, #tpu.memory_space<vmem>> -> memref<64xi32, #tpu.memory_space<vmem>>
    %dma_start3A_6 = arith.constant 0 : i32
    %dma_start3A_7 = arith.constant 0 : i32
    %dma_start3A_8 = tpu.memref_slice %arg2[%dma_start3A_6, %dma_start3A_7] : memref<4697x768xf32, #tpu.memory_space<hbm>> -> memref<4697x768xf32, #tpu.memory_space<hbm>>
    tpu.enqueue_indirect_dma source(%dma_start3A_8 : memref<4697x768xf32, #tpu.memory_space<hbm>>) target(%arg6 : memref<64x768xf32, #tpu.memory_space<vmem>>) offsets(%dma_start3A_5 : memref<64xi32, #tpu.memory_space<vmem>>) semaphore(%arg8 : memref<!tpu.dma_semaphore, #tpu.memory_space<semaphore_mem>>)
    %dma_wait3A = arith.constant 0 : i32
    %dma_wait3A_9 = arith.constant 0 : i32
    %dma_wait3A_10 = tpu.memref_slice %arg5[%dma_wait3A, %dma_wait3A_9] : memref<40x64xi32, #tpu.memory_space<vmem>> -> memref<1x64xi32, #tpu.memory_space<vmem>>
    %dma_wait3A_11 = tpu.memref_squeeze %dma_wait3A_10 : memref<1x64xi32, #tpu.memory_space<vmem>> -> memref<64xi32, #tpu.memory_space<vmem>>
    %dma_wait3A_12 = arith.constant 0 : i32
    %dma_wait3A_13 = arith.constant 0 : i32
    %dma_wait3A_14 = tpu.memref_slice %arg2[%dma_wait3A_12, %dma_wait3A_13] : memref<4697x768xf32, #tpu.memory_space<hbm>> -> memref<4697x768xf32, #tpu.memory_space<hbm>>
    tpu.wait_indirect_dma semaphore(%arg8 : memref<!tpu.dma_semaphore, #tpu.memory_space<semaphore_mem>>) src(%dma_wait3A_14 : memref<4697x768xf32, #tpu.memory_space<hbm>>) dst(%arg6 : memref<64x768xf32, #tpu.memory_space<vmem>>)
    %dma_start3A_15 = arith.constant 1 : i32
    %dma_start3A_16 = arith.constant 0 : i32
    %dma_start3A_17 = tpu.memref_slice %arg5[%dma_start3A_15, %dma_start3A_16] : memref<40x64xi32, #tpu.memory_space<vmem>> -> memref<1x64xi32, #tpu.memory_space<vmem>>
    %dma_start3A_18 = tpu.memref_squeeze %dma_start3A_17 : memref<1x64xi32, #tpu.memory_space<vmem>> -> memref<64xi32, #tpu.memory_space<vmem>>
    %dma_start3A_19 = arith.constant 0 : i32
    %dma_start3A_20 = arith.constant 0 : i32
    %dma_start3A_21 = tpu.memref_slice %arg2[%dma_start3A_19, %dma_start3A_20] : memref<4697x768xf32, #tpu.memory_space<hbm>> -> memref<4697x768xf32, #tpu.memory_space<hbm>>
    tpu.enqueue_indirect_dma source(%dma_start3A_21 : memref<4697x768xf32, #tpu.memory_space<hbm>>) target(%arg7 : memref<64x768xf32, #tpu.memory_space<vmem>>) offsets(%dma_start3A_18 : memref<64xi32, #tpu.memory_space<vmem>>) semaphore(%arg9 : memref<!tpu.dma_semaphore, #tpu.memory_space<semaphore_mem>>)
    %add3A_22 = arith.constant 0 : i32
    %add3A_23 = arith.addi %mul3A_2, %add3A_22 : i32
    %dma_start3A_24 = arith.constant 0 : i32
    %dma_start3A_25 = tpu.memref_slice %arg4[%add3A_23, %dma_start3A_24] : memref<114688x768xf32, #tpu.memory_space<hbm>> -> memref<64x768xf32, #tpu.memory_space<hbm>>
    %dma_start3A_26 = arith.constant 0 : i32
    %dma_start3A_27 = tpu.memref_slice %arg4[%add3A_23, %dma_start3A_26] : memref<114688x768xf32, #tpu.memory_space<hbm>> -> memref<64x768xf32, #tpu.memory_space<hbm>>
    tpu.enqueue_dma source(%arg6 : memref<64x768xf32, #tpu.memory_space<vmem>>) target(%dma_start3A_27 : memref<64x768xf32, #tpu.memory_space<hbm>>) target_semaphore(%arg10 : memref<!tpu.dma_semaphore, #tpu.memory_space<semaphore_mem>>)
    %scan3A = arith.constant 0 : i32
    %scan3A_28 = arith.constant 0 : i32
    %scan3A_29 = arith.constant 19 : i32
    %scan3A_30 = arith.addi %scan3A_28, %scan3A_29 : i32
    %scan3A_31 = arith.constant 1 : i32
    scf.for %scan3A_54 = %scan3A_28 to %scan3A_30 step %scan3A_31  : i32 {
      %mul3A_55 = arith.constant 2 : i32
      %mul3A_56 = arith.muli %mul3A_55, %scan3A_54 : i32
      %add3A_57 = arith.constant 1 : i32
      %add3A_58 = arith.addi %mul3A_56, %add3A_57 : i32
      %dma_wait3A_59 = arith.constant 0 : i32
      %dma_wait3A_60 = arith.constant 0 : i32
      %dma_wait3A_61 = tpu.memref_slice %arg5[%dma_wait3A_59, %dma_wait3A_60] : memref<40x64xi32, #tpu.memory_space<vmem>> -> memref<1x64xi32, #tpu.memory_space<vmem>>
      %dma_wait3A_62 = tpu.memref_squeeze %dma_wait3A_61 : memref<1x64xi32, #tpu.memory_space<vmem>> -> memref<64xi32, #tpu.memory_space<vmem>>
      %dma_wait3A_63 = arith.constant 0 : i32
      %dma_wait3A_64 = arith.constant 0 : i32
      %dma_wait3A_65 = tpu.memref_slice %arg2[%dma_wait3A_63, %dma_wait3A_64] : memref<4697x768xf32, #tpu.memory_space<hbm>> -> memref<4697x768xf32, #tpu.memory_space<hbm>>
      tpu.wait_indirect_dma semaphore(%arg9 : memref<!tpu.dma_semaphore, #tpu.memory_space<semaphore_mem>>) src(%dma_wait3A_65 : memref<4697x768xf32, #tpu.memory_space<hbm>>) dst(%arg7 : memref<64x768xf32, #tpu.memory_space<vmem>>)
      %dma_wait3A_66 = arith.constant 0 : i32
      %dma_wait3A_67 = tpu.memref_slice %arg4[%mul3A_2, %dma_wait3A_66] : memref<114688x768xf32, #tpu.memory_space<hbm>> -> memref<64x768xf32, #tpu.memory_space<hbm>>
      %dma_wait3A_68 = arith.constant 0 : i32
      %dma_wait3A_69 = tpu.memref_slice %arg4[%mul3A_2, %dma_wait3A_68] : memref<114688x768xf32, #tpu.memory_space<hbm>> -> memref<64x768xf32, #tpu.memory_space<hbm>>
      tpu.wait_dma2 semaphore(%arg10 : memref<!tpu.dma_semaphore, #tpu.memory_space<semaphore_mem>>) src(%arg6 : memref<64x768xf32, #tpu.memory_space<vmem>>) dst(%dma_wait3A_69 : memref<64x768xf32, #tpu.memory_space<hbm>>)
      %add3A_70 = arith.constant 1 : i32
      %add3A_71 = arith.addi %add3A_58, %add3A_70 : i32
      %dma_start3A_72 = arith.constant 0 : i32
      %dma_start3A_73 = tpu.memref_slice %arg5[%add3A_71, %dma_start3A_72] : memref<40x64xi32, #tpu.memory_space<vmem>> -> memref<1x64xi32, #tpu.memory_space<vmem>>
      %dma_start3A_74 = tpu.memref_squeeze %dma_start3A_73 : memref<1x64xi32, #tpu.memory_space<vmem>> -> memref<64xi32, #tpu.memory_space<vmem>>
      %dma_start3A_75 = arith.constant 0 : i32
      %dma_start3A_76 = arith.constant 0 : i32
      %dma_start3A_77 = tpu.memref_slice %arg2[%dma_start3A_75, %dma_start3A_76] : memref<4697x768xf32, #tpu.memory_space<hbm>> -> memref<4697x768xf32, #tpu.memory_space<hbm>>
      tpu.enqueue_indirect_dma source(%dma_start3A_77 : memref<4697x768xf32, #tpu.memory_space<hbm>>) target(%arg6 : memref<64x768xf32, #tpu.memory_space<vmem>>) offsets(%dma_start3A_74 : memref<64xi32, #tpu.memory_space<vmem>>) semaphore(%arg8 : memref<!tpu.dma_semaphore, #tpu.memory_space<semaphore_mem>>)
      %mul3A_78 = arith.constant 64 : i32
      %mul3A_79 = arith.muli %add3A_58, %mul3A_78 : i32
      %add3A_80 = arith.addi %mul3A_2, %mul3A_79 : i32
      %dma_start3A_81 = arith.constant 0 : i32
      %dma_start3A_82 = tpu.memref_slice %arg4[%add3A_80, %dma_start3A_81] : memref<114688x768xf32, #tpu.memory_space<hbm>> -> memref<64x768xf32, #tpu.memory_space<hbm>>
      %dma_start3A_83 = arith.constant 0 : i32
      %dma_start3A_84 = tpu.memref_slice %arg4[%add3A_80, %dma_start3A_83] : memref<114688x768xf32, #tpu.memory_space<hbm>> -> memref<64x768xf32, #tpu.memory_space<hbm>>
      tpu.enqueue_dma source(%arg7 : memref<64x768xf32, #tpu.memory_space<vmem>>) target(%dma_start3A_84 : memref<64x768xf32, #tpu.memory_space<hbm>>) target_semaphore(%arg11 : memref<!tpu.dma_semaphore, #tpu.memory_space<semaphore_mem>>)
      %dma_wait3A_85 = arith.constant 0 : i32
      %dma_wait3A_86 = arith.constant 0 : i32
      %dma_wait3A_87 = tpu.memref_slice %arg5[%dma_wait3A_85, %dma_wait3A_86] : memref<40x64xi32, #tpu.memory_space<vmem>> -> memref<1x64xi32, #tpu.memory_space<vmem>>
      %dma_wait3A_88 = tpu.memref_squeeze %dma_wait3A_87 : memref<1x64xi32, #tpu.memory_space<vmem>> -> memref<64xi32, #tpu.memory_space<vmem>>
      %dma_wait3A_89 = arith.constant 0 : i32
      %dma_wait3A_90 = arith.constant 0 : i32
      %dma_wait3A_91 = tpu.memref_slice %arg2[%dma_wait3A_89, %dma_wait3A_90] : memref<4697x768xf32, #tpu.memory_space<hbm>> -> memref<4697x768xf32, #tpu.memory_space<hbm>>
      tpu.wait_indirect_dma semaphore(%arg8 : memref<!tpu.dma_semaphore, #tpu.memory_space<semaphore_mem>>) src(%dma_wait3A_91 : memref<4697x768xf32, #tpu.memory_space<hbm>>) dst(%arg6 : memref<64x768xf32, #tpu.memory_space<vmem>>)
      %dma_wait3A_92 = arith.constant 0 : i32
      %dma_wait3A_93 = tpu.memref_slice %arg4[%mul3A_2, %dma_wait3A_92] : memref<114688x768xf32, #tpu.memory_space<hbm>> -> memref<64x768xf32, #tpu.memory_space<hbm>>
      %dma_wait3A_94 = arith.constant 0 : i32
      %dma_wait3A_95 = tpu.memref_slice %arg4[%mul3A_2, %dma_wait3A_94] : memref<114688x768xf32, #tpu.memory_space<hbm>> -> memref<64x768xf32, #tpu.memory_space<hbm>>
      tpu.wait_dma2 semaphore(%arg11 : memref<!tpu.dma_semaphore, #tpu.memory_space<semaphore_mem>>) src(%arg7 : memref<64x768xf32, #tpu.memory_space<vmem>>) dst(%dma_wait3A_95 : memref<64x768xf32, #tpu.memory_space<hbm>>)
      %add3A_96 = arith.constant 2 : i32
      %add3A_97 = arith.addi %add3A_58, %add3A_96 : i32
      %dma_start3A_98 = arith.constant 0 : i32
      %dma_start3A_99 = tpu.memref_slice %arg5[%add3A_97, %dma_start3A_98] : memref<40x64xi32, #tpu.memory_space<vmem>> -> memref<1x64xi32, #tpu.memory_space<vmem>>
      %dma_start3A_100 = tpu.memref_squeeze %dma_start3A_99 : memref<1x64xi32, #tpu.memory_space<vmem>> -> memref<64xi32, #tpu.memory_space<vmem>>
      %dma_start3A_101 = arith.constant 0 : i32
      %dma_start3A_102 = arith.constant 0 : i32
      %dma_start3A_103 = tpu.memref_slice %arg2[%dma_start3A_101, %dma_start3A_102] : memref<4697x768xf32, #tpu.memory_space<hbm>> -> memref<4697x768xf32, #tpu.memory_space<hbm>>
      tpu.enqueue_indirect_dma source(%dma_start3A_103 : memref<4697x768xf32, #tpu.memory_space<hbm>>) target(%arg7 : memref<64x768xf32, #tpu.memory_space<vmem>>) offsets(%dma_start3A_100 : memref<64xi32, #tpu.memory_space<vmem>>) semaphore(%arg9 : memref<!tpu.dma_semaphore, #tpu.memory_space<semaphore_mem>>)
      %add3A_104 = arith.constant 1 : i32
      %add3A_105 = arith.addi %add3A_58, %add3A_104 : i32
      %mul3A_106 = arith.constant 64 : i32
      %mul3A_107 = arith.muli %add3A_105, %mul3A_106 : i32
      %add3A_108 = arith.addi %mul3A_2, %mul3A_107 : i32
      %dma_start3A_109 = arith.constant 0 : i32
      %dma_start3A_110 = tpu.memref_slice %arg4[%add3A_108, %dma_start3A_109] : memref<114688x768xf32, #tpu.memory_space<hbm>> -> memref<64x768xf32, #tpu.memory_space<hbm>>
      %dma_start3A_111 = arith.constant 0 : i32
      %dma_start3A_112 = tpu.memref_slice %arg4[%add3A_108, %dma_start3A_111] : memref<114688x768xf32, #tpu.memory_space<hbm>> -> memref<64x768xf32, #tpu.memory_space<hbm>>
      tpu.enqueue_dma source(%arg6 : memref<64x768xf32, #tpu.memory_space<vmem>>) target(%dma_start3A_112 : memref<64x768xf32, #tpu.memory_space<hbm>>) target_semaphore(%arg10 : memref<!tpu.dma_semaphore, #tpu.memory_space<semaphore_mem>>)
    }
    %scan3A_32 = arith.constant 19 : i32
    %dma_wait3A_33 = arith.constant 0 : i32
    %dma_wait3A_34 = arith.constant 0 : i32
    %dma_wait3A_35 = tpu.memref_slice %arg5[%dma_wait3A_33, %dma_wait3A_34] : memref<40x64xi32, #tpu.memory_space<vmem>> -> memref<1x64xi32, #tpu.memory_space<vmem>>
    %dma_wait3A_36 = tpu.memref_squeeze %dma_wait3A_35 : memref<1x64xi32, #tpu.memory_space<vmem>> -> memref<64xi32, #tpu.memory_space<vmem>>
    %dma_wait3A_37 = arith.constant 0 : i32
    %dma_wait3A_38 = arith.constant 0 : i32
    %dma_wait3A_39 = tpu.memref_slice %arg2[%dma_wait3A_37, %dma_wait3A_38] : memref<4697x768xf32, #tpu.memory_space<hbm>> -> memref<4697x768xf32, #tpu.memory_space<hbm>>
    tpu.wait_indirect_dma semaphore(%arg9 : memref<!tpu.dma_semaphore, #tpu.memory_space<semaphore_mem>>) src(%dma_wait3A_39 : memref<4697x768xf32, #tpu.memory_space<hbm>>) dst(%arg7 : memref<64x768xf32, #tpu.memory_space<vmem>>)
    %dma_wait3A_40 = arith.constant 0 : i32
    %dma_wait3A_41 = tpu.memref_slice %arg4[%mul3A_2, %dma_wait3A_40] : memref<114688x768xf32, #tpu.memory_space<hbm>> -> memref<64x768xf32, #tpu.memory_space<hbm>>
    %dma_wait3A_42 = arith.constant 0 : i32
    %dma_wait3A_43 = tpu.memref_slice %arg4[%mul3A_2, %dma_wait3A_42] : memref<114688x768xf32, #tpu.memory_space<hbm>> -> memref<64x768xf32, #tpu.memory_space<hbm>>
    tpu.wait_dma2 semaphore(%arg10 : memref<!tpu.dma_semaphore, #tpu.memory_space<semaphore_mem>>) src(%arg6 : memref<64x768xf32, #tpu.memory_space<vmem>>) dst(%dma_wait3A_43 : memref<64x768xf32, #tpu.memory_space<hbm>>)
    %add3A_44 = arith.constant 2496 : i32
    %add3A_45 = arith.addi %mul3A_2, %add3A_44 : i32
    %dma_start3A_46 = arith.constant 0 : i32
    %dma_start3A_47 = tpu.memref_slice %arg4[%add3A_45, %dma_start3A_46] : memref<114688x768xf32, #tpu.memory_space<hbm>> -> memref<64x768xf32, #tpu.memory_space<hbm>>
    %dma_start3A_48 = arith.constant 0 : i32
    %dma_start3A_49 = tpu.memref_slice %arg4[%add3A_45, %dma_start3A_48] : memref<114688x768xf32, #tpu.memory_space<hbm>> -> memref<64x768xf32, #tpu.memory_space<hbm>>
    tpu.enqueue_dma source(%arg7 : memref<64x768xf32, #tpu.memory_space<vmem>>) target(%dma_start3A_49 : memref<64x768xf32, #tpu.memory_space<hbm>>) target_semaphore(%arg11 : memref<!tpu.dma_semaphore, #tpu.memory_space<semaphore_mem>>)
    %dma_wait3A_50 = arith.constant 0 : i32
    %dma_wait3A_51 = tpu.memref_slice %arg4[%mul3A_2, %dma_wait3A_50] : memref<114688x768xf32, #tpu.memory_space<hbm>> -> memref<64x768xf32, #tpu.memory_space<hbm>>
    %dma_wait3A_52 = arith.constant 0 : i32
    %dma_wait3A_53 = tpu.memref_slice %arg4[%mul3A_2, %dma_wait3A_52] : memref<114688x768xf32, #tpu.memory_space<hbm>> -> memref<64x768xf32, #tpu.memory_space<hbm>>
    tpu.wait_dma2 semaphore(%arg11 : memref<!tpu.dma_semaphore, #tpu.memory_space<semaphore_mem>>) src(%arg7 : memref<64x768xf32, #tpu.memory_space<vmem>>) dst(%dma_wait3A_53 : memref<64x768xf32, #tpu.memory_space<hbm>>)
    return
  }
}

module attributes {stable_mosaic.version = 14 : i64} {
  func.func @_prep_body(%arg0: i32, %arg1: memref<671x768xf32, #tpu.memory_space<vmem>>, %arg2: memref<1x1x768xf32, #tpu.memory_space<vmem>>, %arg3: memref<1x768xf32, #tpu.memory_space<vmem>>, %arg4: memref<1x768xf32, #tpu.memory_space<vmem>>, %arg5: memref<1x671x768xf32, #tpu.memory_space<vmem>>) attributes {dimension_semantics = [#tpu.dimension_semantics<arbitrary>], iteration_bounds = array<i64: 7>, scalar_prefetch = 0 : i64, scratch_operands = 0 : i64, tpu.core_type = #tpu.core_type<tc>, window_params = [{pipeline_mode = #tpu.pipeline_mode<synchronous>, transform_indices = @transform_0, window_bounds = array<i64: 671, 768>}, {transform_indices = @transform_1, window_bounds = array<i64: 1, 1, 768>}, {pipeline_mode = #tpu.pipeline_mode<synchronous>, transform_indices = @transform_2, window_bounds = array<i64: 1, 768>}, {pipeline_mode = #tpu.pipeline_mode<synchronous>, transform_indices = @transform_3, window_bounds = array<i64: 1, 768>}, {transform_indices = @transform_4, window_bounds = array<i64: 1, 671, 768>}]} {
    %get3A = arith.constant 0 : index
    %get3A_0 = arith.constant 0 : index
    %get3A_1 = vector.load %arg1[%get3A, %get3A_0] : memref<671x768xf32, #tpu.memory_space<vmem>>, vector<671x768xf32>
    %get3A_2 = arith.constant 0 : index
    %get3A_3 = arith.constant 0 : index
    %get3A_4 = arith.constant 0 : index
    %get3A_5 = vector.load %arg2[%get3A_2, %get3A_3, %get3A_4] : memref<1x1x768xf32, #tpu.memory_space<vmem>>, vector<1x1x768xf32>
    %get3A_6 = vector.shape_cast %get3A_5 : vector<1x1x768xf32> to vector<1x768xf32>
    %add3A = vector.broadcast %get3A_6 : vector<1x768xf32> to vector<671x768xf32>
    %add3A_7 = arith.addf %get3A_1, %add3A : vector<671x768xf32>
    %reduce_sum3A = arith.constant dense<0.000000e+00> : vector<671xf32>
    %reduce_sum3A_8 = vector.multi_reduction <add>, %add3A_7, %reduce_sum3A [1] : vector<671x768xf32> to vector<671xf32>
    %broadcast_in_dim3A = vector.shape_cast %reduce_sum3A_8 : vector<671xf32> to vector<671x1xf32>
    %div3A = arith.constant 7.680000e+02 : f32
    %div3A_9 = vector.broadcast %div3A : f32 to vector<671x1xf32>
    %div3A_10 = arith.divf %broadcast_in_dim3A, %div3A_9 : vector<671x1xf32>
    %sub3A = vector.broadcast %div3A_10 : vector<671x1xf32> to vector<671x768xf32>
    %sub3A_11 = arith.subf %add3A_7, %sub3A : vector<671x768xf32>
    %mul3A = arith.mulf %sub3A_11, %sub3A_11 : vector<671x768xf32>
    %reduce_sum3A_12 = arith.constant dense<0.000000e+00> : vector<671xf32>
    %reduce_sum3A_13 = vector.multi_reduction <add>, %mul3A, %reduce_sum3A_12 [1] : vector<671x768xf32> to vector<671xf32>
    %broadcast_in_dim3A_14 = vector.shape_cast %reduce_sum3A_13 : vector<671xf32> to vector<671x1xf32>
    %div3A_15 = arith.constant 7.680000e+02 : f32
    %div3A_16 = vector.broadcast %div3A_15 : f32 to vector<671x1xf32>
    %div3A_17 = arith.divf %broadcast_in_dim3A_14, %div3A_16 : vector<671x1xf32>
    %add3A_18 = arith.constant 9.99999974E-6 : f32
    %add3A_19 = vector.broadcast %add3A_18 : f32 to vector<671x1xf32>
    %add3A_20 = arith.addf %div3A_17, %add3A_19 : vector<671x1xf32>
    %rsqrt3A = math.rsqrt %add3A_20 : vector<671x1xf32>
    %mul3A_21 = vector.broadcast %rsqrt3A : vector<671x1xf32> to vector<671x768xf32>
    %mul3A_22 = arith.mulf %sub3A_11, %mul3A_21 : vector<671x768xf32>
    %get3A_23 = arith.constant 0 : index
    %get3A_24 = arith.constant 0 : index
    %get3A_25 = vector.load %arg3[%get3A_23, %get3A_24] : memref<1x768xf32, #tpu.memory_space<vmem>>, vector<1x768xf32>
    %mul3A_26 = vector.broadcast %get3A_25 : vector<1x768xf32> to vector<671x768xf32>
    %mul3A_27 = arith.mulf %mul3A_22, %mul3A_26 : vector<671x768xf32>
    %get3A_28 = arith.constant 0 : index
    %get3A_29 = arith.constant 0 : index
    %get3A_30 = vector.load %arg4[%get3A_28, %get3A_29] : memref<1x768xf32, #tpu.memory_space<vmem>>, vector<1x768xf32>
    %add3A_31 = vector.broadcast %get3A_30 : vector<1x768xf32> to vector<671x768xf32>
    %add3A_32 = arith.addf %mul3A_27, %add3A_31 : vector<671x768xf32>
    %broadcast_in_dim3A_33 = vector.shape_cast %add3A_32 : vector<671x768xf32> to vector<1x671x768xf32>
    %swap3A = arith.constant 0 : index
    %swap3A_34 = arith.constant 0 : index
    %swap3A_35 = arith.constant 0 : index
    %swap3A_36 = vector.load %arg5[%swap3A, %swap3A_34, %swap3A_35] : memref<1x671x768xf32, #tpu.memory_space<vmem>>, vector<1x671x768xf32>
    tpu.vector_store %arg5[%swap3A, %swap3A_34, %swap3A_35], %broadcast_in_dim3A_33 {strides = array<i32>} : memref<1x671x768xf32, #tpu.memory_space<vmem>>, vector<1x671x768xf32>,
    return
  }
  func.func @transform_0(%arg0: i32) -> (i32, i32) {
    %c0_i32 = arith.constant 0 : i32
    %c0_i32_0 = arith.constant 0 : i32
    %c0_i32_1 = arith.constant 0 : i32
    return %c0_i32, %c0_i32_0 : i32, i32
  }
  func.func @transform_1(%arg0: i32) -> (i32, i32, i32) {
    %c0_i32 = arith.constant 0 : i32
    %c0_i32_0 = arith.constant 0 : i32
    %c0_i32_1 = arith.constant 0 : i32
    return %arg0, %c0_i32, %c0_i32_0 : i32, i32, i32
  }
  func.func @transform_2(%arg0: i32) -> (i32, i32) {
    %c0_i32 = arith.constant 0 : i32
    %c0_i32_0 = arith.constant 0 : i32
    %c0_i32_1 = arith.constant 0 : i32
    return %c0_i32, %c0_i32_0 : i32, i32
  }
  func.func @transform_3(%arg0: i32) -> (i32, i32) {
    %c0_i32 = arith.constant 0 : i32
    %c0_i32_0 = arith.constant 0 : i32
    %c0_i32_1 = arith.constant 0 : i32
    return %c0_i32, %c0_i32_0 : i32, i32
  }
  func.func @transform_4(%arg0: i32) -> (i32, i32, i32) {
    %c0_i32 = arith.constant 0 : i32
    %c0_i32_0 = arith.constant 0 : i32
    %c0_i32_1 = arith.constant 0 : i32
    return %arg0, %c0_i32, %c0_i32_0 : i32, i32, i32
  }
}

module attributes {stable_mosaic.version = 14 : i64} {
  func.func @_tc_body(%arg0: i32, %arg1: i32, %arg2: memref<1x1x1x512xi32, #tpu.memory_space<vmem>>, %arg3: memref<1x671x768xf32, #tpu.memory_space<vmem>>, %arg4: memref<512x768xf32, #tpu.memory_space<vmem>>) attributes {dimension_semantics = [#tpu.dimension_semantics<arbitrary>, #tpu.dimension_semantics<arbitrary>], iteration_bounds = array<i64: 2, 32>, scalar_prefetch = 0 : i64, scratch_operands = 0 : i64, tpu.core_type = #tpu.core_type<tc>, window_params = [{transform_indices = @transform_0, window_bounds = array<i64: 1, 1, 1, 512>}, {transform_indices = @transform_1, window_bounds = array<i64: 1, 671, 768>}, {transform_indices = @transform_2, window_bounds = array<i64: 512, 768>}]} {
    %get3A = arith.constant 0 : index
    %get3A_0 = arith.constant 0 : index
    %get3A_1 = arith.constant 0 : index
    %get3A_2 = arith.constant 0 : index
    %get3A_3 = vector.load %arg2[%get3A, %get3A_0, %get3A_1, %get3A_2] : memref<1x1x1x512xi32, #tpu.memory_space<vmem>>, vector<1x1x1x512xi32>
    %get3A_4 = vector.shape_cast %get3A_3 : vector<1x1x1x512xi32> to vector<512xi32>
    %iota3A = tpu.iota {dimensions = array<i32: 0>} : vector<671x512xi32>
    %broadcast_in_dim3A = vector.shape_cast %get3A_4 : vector<512xi32> to vector<1x512xi32>
    %eq3A = vector.broadcast %broadcast_in_dim3A : vector<1x512xi32> to vector<671x512xi32>
    %eq3A_5 = arith.cmpi eq, %iota3A, %eq3A : vector<671x512xi32>
    %convert_element_type3A = arith.extui %eq3A_5 : vector<671x512xi1> to vector<671x512xi32>
    %convert_element_type3A_6 = arith.sitofp %convert_element_type3A : vector<671x512xi32> to vector<671x512xf32>
    %convert_element_type3A_7 = arith.truncf %convert_element_type3A_6 : vector<671x512xf32> to vector<671x512xbf16>
    %get3A_8 = arith.constant 0 : index
    %get3A_9 = arith.constant 0 : index
    %get3A_10 = arith.constant 0 : index
    %get3A_11 = vector.load %arg3[%get3A_8, %get3A_9, %get3A_10] : memref<1x671x768xf32, #tpu.memory_space<vmem>>, vector<1x671x768xf32>
    %get3A_12 = vector.shape_cast %get3A_11 : vector<1x671x768xf32> to vector<671x768xf32>
    %convert_element_type3A_13 = arith.truncf %get3A_12 : vector<671x768xf32> to vector<671x768xbf16>
    %dot_general3A = arith.constant dense<0.000000e+00> : vector<512x768xf32>
    %dot_general3A_14 = tpu.matmul %convert_element_type3A_7, %convert_element_type3A_13, %dot_general3A {dimension_numbers = #tpu.dot_dimension_numbers<[0], [0], [1], [1], [0, 1, 1, 1], [], []>, transpose_lhs_hint = false} : vector<671x512xbf16>, vector<671x768xbf16>, vector<512x768xf32> -> vector<512x768xf32>
    %swap3A = arith.constant 0 : index
    %swap3A_15 = arith.constant 0 : index
    %swap3A_16 = vector.load %arg4[%swap3A, %swap3A_15] : memref<512x768xf32, #tpu.memory_space<vmem>>, vector<512x768xf32>
    tpu.vector_store %arg4[%swap3A, %swap3A_15], %dot_general3A_14 {strides = array<i32>} : memref<512x768xf32, #tpu.memory_space<vmem>>, vector<512x768xf32>,
    return
  }
  func.func @transform_0(%arg0: i32, %arg1: i32) -> (i32, i32, i32, i32) {
    %c0_i32 = arith.constant 0 : i32
    %c0_i32_0 = arith.constant 0 : i32
    %c0_i32_1 = arith.constant 0 : i32
    return %arg0, %arg1, %c0_i32, %c0_i32_0 : i32, i32, i32, i32
  }
  func.func @transform_1(%arg0: i32, %arg1: i32) -> (i32, i32, i32) {
    %add3A = arith.constant 5 : i32
    %add3A_0 = arith.addi %add3A, %arg0 : i32
    %c0_i32 = arith.constant 0 : i32
    %c0_i32_1 = arith.constant 0 : i32
    %c0_i32_2 = arith.constant 0 : i32
    return %add3A_0, %c0_i32, %c0_i32_1 : i32, i32, i32
  }
  func.func @transform_2(%arg0: i32, %arg1: i32) -> (i32, i32) {
    %mul3A = arith.constant 32 : i32
    %mul3A_0 = arith.muli %arg0, %mul3A : i32
    %add3A = arith.addi %mul3A_0, %arg1 : i32
    %c0_i32 = arith.constant 0 : i32
    %c0_i32_1 = arith.constant 0 : i32
    return %add3A, %c0_i32 : i32, i32
  }
}

</mosaic_0001>

<sc_bundles>
// kernel: kernel.5.cloned.1.call-start
scs
__scs_entry_jumppad:
0x0: {  	(pc) =	sbr.rel $0x88, $3  }
0x1: {  	(tag) =	ssettag $0x0;
	lr =	simm.s32 $0x1  }
0x2: {  	[smem:$0x3F9C] =	sst lr;
	_ =	strace $0xD0000000  }
0x3: {  	_ = 	snop  }
0x4: {  	_ = 	snop  }
0x5: {  	_ = 	snop  }
0x6: {  	_ = 	snop  }
0x7: {  	_ = 	snop  }
__scs_overlays_trampoline_lowered:
0x8: {  	[smem:$0x3FAB] =	sst s0  }
0x9: {  	[smem:$0x3FAC] =	sst s1  }
0xa: {  	[smem:$0x3FAD] =	sst s2  }
0xb: {  	[smem:$0x3FAE] =	sst s3  }
0xc: {  	[smem:$0x3FAF] =	sst s4  }
0xd: {  	[smem:$0x3FB0] =	sst s5  }
0xe: {  	[smem:$0x3FB1] =	sst s6  }
0xf: {  	[smem:$0x3FB2] =	sst s7  }
0x10: {  	[smem:$0x3FB3] =	sst s8  }
0x11: {  	[smem:$0x3FB4] =	sst s9;
	s0 =	simm.s32 @!p0 $0x0  }
0x12: {  	s1 =	sld [smem:$0x3F9A];
	s0 =	simm.s32 @p0 $0x1  }
0x13: {  	[smem:$0x3FB5] =	sst s0;
	s0 =	simm.s32 @!p1 $0x0  }
0x14: {  	s2 =	sld [smem:$0x3F99];
	s0 =	simm.s32 @p1 $0x1  }
0x15: {  	[smem:$0x3FB6] =	sst s0;
	s0 =	simm.s32 @!p2 $0x0  }
0x16: {  	s3 =	sld [smem:$0x3FDB];
	s0 =	simm.s32 @p2 $0x1  }
0x17: {  	s4 =	simm.s32 $0x1BF5;
	[smem:$0x3FB8] =	sst s0  }
0x18: {  	s0 =	sld [smem:$0x3F9B];
	_ =	swait.ge [sflag:s4], $0x0  }
0x19: {  	s7 =	sld [smem:$0x3F9C]  }
0x1a: {  	s8 =	sadd.s32 $0xFFFFE003, lr  }
0x1b: {  	s9 =	sadd.s32 $0xFFFFFEF7, lr;
	s5 =	simm.s32 $0xFFFFFFFF;
	p2 =	slt.u32 s8, $0xFFFFF086  }
0x1c: {  	p1 =	slt.u32 s9, $0xF7A;
	s5 =	simm.s32 @!p2 $0x0  }
0x1d: {  	s5 =	simm.s32 @p1 $0x1;
	p0 =	seq.s32 s7, s2  }
0x1e: {  	s7 =	smul.u32 @!p0 $0xF7A, s2;
	p2 =	seq.s32 @!p0 s5, $0x0  }
0x1f: {  	s9 =	smul.u32 $0xF7A, s1;
	s8 =	simm.s32 @!p0 $0x1BF5;
	p2 =	por !p2, p0  }
0x20: {  	[sflag:s8] =	ssyncset.s32 @!p0 $0xFFFFF086;
	s6 =	sadd.s32 @!p0 s3, s7;
	s7 =	simm.s32 @!p0 $0x108  }
0x21: {  	s3 =	sadd.s32 s3, s9;
	s6 =	sadd.s32 @!p0 $0x88, s6;
	s7 =	simm.s32 @p2 $0x1082  }
0x22: {  	[simem:s7], [sflag:s8] =	dma.local @!p0 [hbm:s6], $0xF7A  }
0x23: {  	s9 =	sor.u32 $0xD0000000, s2;
	s6 =	simm.s32 $0x108;
	_ =	swait.ge @!p0 [sflag:s8], $0x0  }
0x24: {  	s3 =	sadd.s32 $0x88, s3;
	s6 =	simm.s32 @!p1 $0x1082;
	[sflag:s4] =	ssyncset.s32 $0xFFFFF086  }
0x25: {  	[simem:s6], [sflag:s4] =	dma.local [hbm:s3], $0xF7A  }
0x26: {  	[smem:$0x3F9C] =	sst s1;
	(tag) =	ssettag s2;
	_ =	strace s9  }
0x27: {  	s1 =	sld [smem:$0x3FAC]  }
0x28: {  	s2 =	sld [smem:$0x3FAD]  }
0x29: {  	s4 =	sld [smem:$0x3FAF]  }
0x2a: {  	p0 =	seq.s32 s5, $0x0;
	s5 =	sld [smem:$0x3FB0]  }
0x2b: {  	s6 =	sld [smem:$0x3FB1]  }
0x2c: {  	s7 =	sld [smem:$0x3FB2]  }
0x2d: {  	s3 =	simm.s32 $0x108;
	s8 =	sld [smem:$0x3FB3]  }
0x2e: {  	s3 =	simm.s32 @!p0 $0x1082;
	s9 =	sld [smem:$0x3FB4]  }
0x2f: {  	lr =	sadd.s32 s0, s3;
	s0 =	sld [smem:$0x3FAB]  }
0x30: {  	s3 =	sld [smem:$0x3FAE]  }
0x31: {  	[smem:$0x3FB7] =	sst s10  }
0x32: {  	s10 =	sld [smem:$0x3FB5];
	_ =	sdelay $0x3  }
0x33: {  	p0 =	seq.s32 s10, $0x1;
	s10 =	sld [smem:$0x3FB7];
	_ =	sdelay $0x3  }
0x34: {  	[smem:$0x3FB7] =	sst s10  }
0x35: {  	s10 =	sld [smem:$0x3FB6];
	_ =	sdelay $0x3  }
0x36: {  	p1 =	seq.s32 s10, $0x1;
	s10 =	sld [smem:$0x3FB7];
	_ =	sdelay $0x3  }
0x37: {  	[smem:$0x3FB7] =	sst s10  }
0x38: {  	s10 =	sld [smem:$0x3FB8]  }
0x39: {  	_ = 	snop;
	(pc) =	sbr.ind lr, $3  }
0x3a: {  	_ = 	snop  }
0x3b: {  	_ = 	snop  }
0x3c: {  	p2 =	seq.s32 s10, $0x1;
	s10 =	sld [smem:$0x3FB7]  }
0x3d: {  	_ =	shalt  }
0x3e: {  	_ =	shalt  }
0x3f: {  	_ =	shalt  }
0x40: {  	_ =	shalt  }
0x41: {  	_ =	shalt  }
0x42: {  	_ =	shalt  }
0x43: {  	_ =	shalt  }
0x44: {  	_ =	shalt  }
0x45: {  	_ =	shalt  }
0x46: {  	_ =	shalt  }
0x47: {  	_ =	shalt  }
0x48: {  	_ =	shalt  }
0x49: {  	_ =	shalt  }
0x4a: {  	_ =	shalt  }
0x4b: {  	_ =	shalt  }
0x4c: {  	_ =	shalt  }
0x4d: {  	_ =	shalt  }
0x4e: {  	_ =	shalt  }
0x4f: {  	_ =	shalt  }
0x50: {  	_ =	shalt  }
0x51: {  	_ =	shalt  }
0x52: {  	_ =	shalt  }
0x53: {  	_ =	shalt  }
0x54: {  	_ =	shalt  }
0x55: {  	_ =	shalt  }
0x56: {  	_ =	shalt  }
0x57: {  	_ =	shalt  }
0x58: {  	_ =	shalt  }
0x59: {  	_ =	shalt  }
0x5a: {  	_ =	shalt  }
0x5b: {  	_ =	shalt  }
0x5c: {  	_ =	shalt  }
0x5d: {  	_ =	shalt  }
0x5e: {  	_ =	shalt  }
0x5f: {  	_ =	shalt  }
0x60: {  	_ =	shalt  }
0x61: {  	_ =	shalt  }
0x62: {  	_ =	shalt  }
0x63: {  	_ =	shalt  }
0x64: {  	_ =	shalt  }
0x65: {  	_ =	shalt  }
0x66: {  	_ =	shalt  }
0x67: {  	_ =	shalt  }
0x68: {  	_ =	shalt  }
0x69: {  	_ =	shalt  }
0x6a: {  	_ =	shalt  }
0x6b: {  	_ =	shalt  }
0x6c: {  	_ =	shalt  }
0x6d: {  	_ =	shalt  }
0x6e: {  	_ =	shalt  }
0x6f: {  	_ =	shalt  }
0x70: {  	_ =	shalt  }
0x71: {  	_ =	shalt  }
0x72: {  	_ =	shalt  }
0x73: {  	_ =	shalt  }
0x74: {  	_ =	shalt  }
0x75: {  	_ =	shalt  }
0x76: {  	_ =	shalt  }
0x77: {  	_ =	shalt  }
0x78: {  	_ =	shalt  }
0x79: {  	_ =	shalt  }
0x7a: {  	_ =	shalt  }
0x7b: {  	_ =	shalt  }
0x7c: {  	_ =	shalt  }
0x7d: {  	_ =	shalt  }
0x7e: {  	_ =	shalt  }
0x7f: {  	_ =	shalt  }
0x80: {  	_ =	shalt  }
0x81: {  	_ =	shalt  }
0x82: {  	_ =	shalt  }
0x83: {  	_ =	shalt  }
0x84: {  	_ =	shalt  }
0x85: {  	_ =	shalt  }
0x86: {  	_ =	shalt  }
0x87: {  	_ =	shalt  }
.Lfunc_end0:
.L_simem_size_0:
called_computation_lowered:
.L_overlay_start_0:
0x88: {  	s2 =	sld [smem:$0x3FD9]  }
0x89: {  	s3 =	sld [smem:$0x3FFE];
	_ =	sdelay $0x1  }
0x8a: {  	s1 =	srdreg.scid  }
0x8b: {  	s0 =	sand.u32 $0x1, s1  }
0x8c: {  	s17 =	sshll.u32 s0, $0xA;
	s2 =	sadd.s32 s3, s2  }
0x8d: {  	s2 =	sadd.s32 s2, s17  }
0x8e: {  	[smem:$0x3FC3] =	sst s2  }
0x8f: {  	_ = 	snop  }
0x90: {  	s2 =	sld [smem:$0x3FD0];
	(tm) =	ssettm $0x1  }
0x91: {  	s18 =	sld [smem:$0x3FFB];
	_ =	sdelay $0x3  }
0x92: {  	_ =	strace s18  }
0x93: {  	s3 =	sld [smem:$0x3FFC];
	_ =	sdelay $0x3  }
0x94: {  	_ =	strace s3  }
0x95: {  	s3 =	sld [smem:$0x3FFD];
	_ =	sdelay $0x3  }
0x96: {  	_ =	strace s3  }
0x97: {  	_ =	strace $0x8FFFFFFF  }
0x98: {  	s19 =	sld [smem:$0x3FDB];
	_ =	sdelay $0x1  }
0x99: {  	s4 =	simm.s32 $_scs_section_size  }
0x9a: {  	s5 =	simm.s32 $_size__tile_overlayer_lowered;
	s6 =	simm.s32 $_tile_overlayer_lowered  }
0x9b: {  	s22 =	simm.s32 $0x1BFF;
	s21 =	sshll.u32 s6, $0x1;
	s3 =	sadd.s32 s4, s19  }
0x9c: {  	s7 =	simm.s32 $0x0;
	s20 =	sshll.u32 s5, $0x1;
	s5 =	sadd.s32 s21, s3  }
0x9d: {  	[timem:s7], [sflag:s22] =	dma.local [hbm:s5], s20  }
0x9e: {  	_ =	swait.ge [sflag:s22], s20  }
0x9f: {  	s4 =	ssub.s32 $0x0, s20;
	[sflag:s22] =	ssyncset.done $0x0  }
0xa0: {  	[sflag:s22] =	ssyncadd.s32 s4;
	_ =	sdelay $0x1  }
0xa1: {  	s23 =	simm.s32 $0x1B8B  }
0xa2: {  	_ =	swait.ge [sflag:s23], $0x1  }
0xa3: {  	[sflag:s23] =	ssyncset.done $0x0  }
0xa4: {  	s25 =	simm.s32 $0x1B8E;
	s24 =	sld [smem:$0x3FFE];
	[sflag:s23] =	ssyncadd.s32 $0xFFFFFFFF  }
0xa5: {  	s26 =	simm.s32 $execute0_lowered;
	[smem:$0x3FD2] =	sst s25  }
0xa6: {  	s5 =	sshll.u32 s26, $0x1;
	_ =	strace $0x80000046;
	[dreg:$0x1] =	wrdreg $0xFFFFFFFF  }
0xa7: {  	s28 =	simm.s32 $_size_execute0_lowered;
	s3 =	sadd.s32 s3, s5;
	[dreg:$0x0] =	wrdreg $0x0  }
0xa8: {  	s5 =	sshll.u32 s28, $0x1;
	[dreg:$0x2] =	wrdreg s3  }
0xa9: {  	[dreg:$0x3] =	wrdreg s5  }
0xaa: {  	[dreg:$0x4] =	wrdreg $0xC0  }
0xab: {  	_ =	task [dreg:s7], $0x5FFFF  }
0xac: {  	[dreg:$0x1] =	wrdreg $0xFFFFFFFF  }
0xad: {  	[dreg:$0x0] =	wrdreg $0x60  }
0xae: {  	[dreg:$0x2] =	wrdreg s24  }
0xaf: {  	[dreg:$0x3] =	wrdreg s2  }
0xb0: {  	[dreg:$0x4] =	wrdreg $0x9  }
0xb1: {  	_ =	task.clear_ibuf [dreg:s7], $0x5FFFF;
	_ =	strace $0x90000046  }
0xb2: {  	s29 =	simm.s32 $0x9;
	_ =	strace $0x80000048  }
0xb3: {  	_ =	swait.ge [sflag:s29], $0x1  }
0xb4: {  	[sflag:s29] =	ssyncadd.s32 $0xFFFFFFFF  }
0xb5: {  	_ =	strace $0x90000048  }
0xb6: {  	_ =	sfence  }
0xb7: {  	s30 =	sld [smem:$0x0];
	_ =	sdelay $0x2  }
0xb8: {  	s31 =	sshll.u32 s1, $0xD;
	s1 =	sshrl.u32 s1, $0x2  }
0xb9: {  	s3 =	sand.u32 $0x4000, s31;
	s1 =	sadd.s32 s1, s30  }
0xba: {  	s0 =	sor.u32 s3, s0;
	s1 =	sshll.u32 s1, $0x11  }
0xbb: {  	s0 =	sor.u32 s1, s0  }
0xbc: {  	s0 =	sadd.s32 $0x8F2B, s0  }
0xbd: {  	[sflag:s0] =	ssyncadd.remote.s32 $0x1  }
0xbe: {  	_ =	sfence.sel $0xFFFF  }
0xbf: {  	[dreg:$0x0] =	wrdreg $0xFFFFFFFF;
	(pc) =	sbr.abs _section_cstart, $3  }
0xc0: {  	[dreg:$0x1] =	wrdreg $0xFFFFFFFF  }
0xc1: {  	_ =	task.clear_ibuf [dreg:s7], $0x2FFFF;
	_ =	strace $0x9FFFFFFF  }
0xc2: {  	(tm) =	ssettm $0x7FFFFFFF  }
0xc3: {  	_ =	shalt  }
tec
execute0_lowered:
.L_overlay_start_1:
0x0: {  	(tag) =	ssettag $0x1  }
0x1: {  	s0 =	srdreg.scid;
	s4 =	rddreg [dreg:$0x0]  }
0x2: {  	s3 =	stileid.u32;
	s7 =	rddreg [dreg:$0x1]  }
0x3: {  	s2 =	simm.s32 $0x0;
	s31 =	simm.s32 $0x1400;
	s15 =	simm.s32 $0x1C00  }
0x4: {  	s14 =	simm.s32 $0x2400;
	s16 =	simm.s32 $0x2C00;
	s17 =	simm.s32 $0x3400  }
0x5: {  	s18 =	simm.s32 $0x3C00;
	s19 =	simm.s32 $0x4400;
	s20 =	simm.s32 $0x4C00  }
0x6: {  	s21 =	simm.s32 $0x5400;
	s28 =	simm.s32 $0x8400;
	s29 =	simm.s32 $0x8C00  }
0x7: {  	s30 =	simm.s32 $0x9400;
	s11 =	simm.s32 $0xB400;
	s10 =	simm.s32 $0x3  }
0x8: {  	s12 =	simm.s32 $0x4;
	s13 =	simm.s32 $0x0;
	s0 =	sand.u32 $0x1, s0  }
0x9: {  	s1 =	sshll.u32 s3, $0x1;
	s6 =	smul.u32 $0x1400, s3;
	[smem:$0x7FF] =	sst s2  }
0xa: {  	s3 =	sadd.s32 $0x73E00, s4;
	s1 =	sor.u32 s0, s1;
	s8 =	smul.u32 $0xA00, s0  }
0xb: {  	_ =	strace $0x80000047;
	s0 =	ssub.s32 $0x2, s0;
	s5 =	smul.u32 $0x280, s1  }
0xc: {  	[dreg:$0x9] =	wrdreg s13;
	s1 =	smul.u32 $0xA00, s1;
	s9 =	sshrl.u32 s0, $0x1  }
0xd: {  	s6 =	sadd.s32 s8, s6;
	s0 =	ssub.s32 s0, s9;
	s9 =	simm.s32 $0x1  }
0xe: {  	s5 =	sadd.s32 s5, s4;
	s1 =	sshrl.u32 s1, $0x3;
	s8 =	sor.u32 $0x80, s6  }
0xf: {  	s6 =	sor.u32 $0x40, s6;
	s0 =	smax.u32 s0, $0x1;
	s1 =	smul.u32 $0x300, s1  }
0x10: {  	s8 =	sshrl.u32 s8, $0x3;
	s6 =	sshrl.u32 s6, $0x3;
	s5 =	sadd.s32 $0xA00, s5  }
0x11: {  	[dreg:$0x8] =	wrdreg s0;
	s0 =	simm.s32 $0xA400;
	s8 =	smul.u32 $0x300, s8  }
0x12: {  	[dreg:$0x5] =	wrdreg s5;
	s22 =	smul.u32 $0x300, s6;
	s5 =	sadd.s32 $0x73F00, s4  }
0x13: {  	s6 =	sadd.s32 $0x74000, s4;
	s4 =	simm.s32 $0xAC00;
	s24 =	sadd.s32 s7, s1  }
0x14: {  	s1 =	simm.s32 $0xD400;
	s23 =	sadd.s32 s8, s7;
	[dreg:$0x6] =	wrdreg s24  }
0x15: {  	s25 =	sadd.s32 s22, s7;
	s26 =	sadd.s32 $0x3A800, s24;
	[dreg:$0x3] =	wrdreg s23  }
0x16: {  	v2 =	vlaneseq.u32;
	s22 =	simm.s32 $0x5C00;
	s24 =	simm.s32 $0x6C00;
	[dreg:$0x7] =	wrdreg s26  }
0x17: {  	vm0 =	vmmov $0xffff;
	v1 =	vshrl.u32 v2, $0x3;
	s7 =	simm.s32 $0x9C00;
	s8 =	simm.s32 $0x2;
	[dreg:$0x4] =	wrdreg s25  }
0x18: {  	v0 =	vand.u32 $0x7, v2;
	v2 =	vor.u32 $0x8, v2;
	v1 =	vmul.u32 $0x8, v1;
	s23 =	simm.s32 $0x6400;
	s25 =	simm.s32 $0x7400;
	s26 =	simm.s32 $0x7C00  }
.LBB2_1:
0x19: {  	s13 =	rddreg [dreg:$0x5]  }
0x1a: {  	[tilespmem:s2], [sflag:$0x5] =	stream.linear.gather [hbm4b:s13+s2], $0x1400, $0x38;
	[tilespmem:$0x19400] =	vst v63  }
0x1b: {  	s13 =	simm.s32 $0x5  }
0x1c: {  	_ =	swait.ge [sflag:s13], $0x1400  }
0x1d: {  	[sflag:s13] =	ssyncset.done $0x0  }
0x1e: {  	[sflag:s13] =	ssyncadd.s32 $0xFFFFEC00  }
0x1f: {  	v3 =	vld [tilespmem:$0x0];
	_ =	sdelay $0x4  }
0x20: {  	v4 =	vshrl.u32 v3, $0x3  }
0x21: {  	v4 =	vmul.u32 $0x30, v4  }
0x22: {  	v3 =	vand.u32 $0x7, v3  }
0x23: {  	v3 =	vor.u32 v3, v4  }
0x24: {  	v4 =	vperm.xlane v3, v0;
	_ =	sdelay $0x1  }
0x25: {  	v4 =	vadd.s32 v1, v4;
	_ =	sdelay $0x3  }
0x26: {  	v3 =	vperm.xlane v3, v2  }
0x27: {  	[tilespmem:s31], [sflag:$0x1] =	stream.indirect_vreg.gather [hbm4b:s3+s2], $0x80, v4, vm0, $0xb8;
	[tilespmem:$0x19400] =	vst v63  }
0x28: {  	v3 =	vadd.s32 v1, v3  }
0x29: {  	[tilespmem:s15], [sflag:$0x1] =	stream.indirect_vreg.gather [hbm4b:s5+s2], $0x80, v4, vm0, $0xb8;
	[tilespmem:$0x19400] =	vst v63  }
0x2a: {  	_ = 	snop  }
0x2b: {  	[tilespmem:s14], [sflag:$0x1] =	stream.indirect_vreg.gather [hbm4b:s6+s2], $0x80, v4, vm0, $0xb8;
	[tilespmem:$0x19400] =	vst v63  }
0x2c: {  	_ = 	snop  }
0x2d: {  	[tilespmem:s16], [sflag:$0x1] =	stream.indirect_vreg.gather [hbm4b:s3+s2], $0x80, v3, vm0, $0xb8;
	[tilespmem:$0x19400] =	vst v63  }
0x2e: {  	_ = 	snop  }
0x2f: {  	[tilespmem:s17], [sflag:$0x1] =	stream.indirect_vreg.gather [hbm4b:s5+s2], $0x80, v3, vm0, $0xb8;
	[tilespmem:$0x19400] =	vst v63  }
0x30: {  	_ = 	snop  }
0x31: {  	[tilespmem:s18], [sflag:$0x1] =	stream.indirect_vreg.gather [hbm4b:s6+s2], $0x80, v3, vm0, $0xb8;
	[tilespmem:$0x19400] =	vst v63  }
0x32: {  	v3 =	vld [tilespmem:$0x10];
	_ =	sdelay $0x4  }
0x33: {  	v57 =	vshrl.u32 v3, $0x3  }
0x34: {  	v4 =	vmul.u32 $0x30, v57  }
0x35: {  	v3 =	vand.u32 $0x7, v3  }
0x36: {  	v3 =	vor.u32 v3, v4  }
0x37: {  	v4 =	vperm.xlane v3, v0;
	_ =	sdelay $0x1  }
0x38: {  	v4 =	vadd.s32 v1, v4;
	_ =	sdelay $0x3  }
0x39: {  	v3 =	vperm.xlane v3, v2  }
0x3a: {  	[tilespmem:s19], [sflag:$0x1] =	stream.indirect_vreg.gather [hbm4b:s3+s2], $0x80, v4, vm0, $0xb8;
	[tilespmem:$0x19400] =	vst v63  }
0x3b: {  	v3 =	vadd.s32 v1, v3  }
0x3c: {  	[tilespmem:s20], [sflag:$0x1] =	stream.indirect_vreg.gather [hbm4b:s5+s2], $0x80, v4, vm0, $0xb8;
	[tilespmem:$0x19400] =	vst v63  }
0x3d: {  	_ = 	snop  }
0x3e: {  	[tilespmem:s21], [sflag:$0x1] =	stream.indirect_vreg.gather [hbm4b:s6+s2], $0x80, v4, vm0, $0xb8;
	[tilespmem:$0x19400] =	vst v63  }
0x3f: {  	_ = 	snop  }
0x40: {  	[tilespmem:s22], [sflag:$0x1] =	stream.indirect_vreg.gather [hbm4b:s3+s2], $0x80, v3, vm0, $0xb8;
	[tilespmem:$0x19400] =	vst v63  }
0x41: {  	_ = 	snop  }
0x42: {  	[tilespmem:s23], [sflag:$0x1] =	stream.indirect_vreg.gather [hbm4b:s5+s2], $0x80, v3, vm0, $0xb8;
	[tilespmem:$0x19400] =	vst v63  }
0x43: {  	_ = 	snop  }
0x44: {  	[tilespmem:s24], [sflag:$0x1] =	stream.indirect_vreg.gather [hbm4b:s6+s2], $0x80, v3, vm0, $0xb8;
	[tilespmem:$0x19400] =	vst v63  }
0x45: {  	v3 =	vld [tilespmem:$0x20];
	_ =	sdelay $0x4  }
0x46: {  	v58 =	vshrl.u32 v3, $0x3  }
0x47: {  	v4 =	vmul.u32 $0x30, v58  }
0x48: {  	v3 =	vand.u32 $0x7, v3  }
0x49: {  	v3 =	vor.u32 v3, v4  }
0x4a: {  	v4 =	vperm.xlane v3, v0;
	_ =	sdelay $0x1  }
0x4b: {  	v4 =	vadd.s32 v1, v4;
	_ =	sdelay $0x3  }
0x4c: {  	v3 =	vperm.xlane v3, v2  }
0x4d: {  	[tilespmem:s25], [sflag:$0x1] =	stream.indirect_vreg.gather [hbm4b:s3+s2], $0x80, v4, vm0, $0xb8;
	[tilespmem:$0x19400] =	vst v63  }
0x4e: {  	v3 =	vadd.s32 v1, v3  }
0x4f: {  	[tilespmem:s26], [sflag:$0x1] =	stream.indirect_vreg.gather [hbm4b:s5+s2], $0x80, v4, vm0, $0xb8;
	[tilespmem:$0x19400] =	vst v63  }
0x50: {  	_ = 	snop  }
0x51: {  	[tilespmem:s28], [sflag:$0x1] =	stream.indirect_vreg.gather [hbm4b:s6+s2], $0x80, v4, vm0, $0xb8;
	[tilespmem:$0x19400] =	vst v63  }
0x52: {  	_ = 	snop  }
0x53: {  	[tilespmem:s29], [sflag:$0x1] =	stream.indirect_vreg.gather [hbm4b:s3+s2], $0x80, v3, vm0, $0xb8;
	[tilespmem:$0x19400] =	vst v63  }
0x54: {  	_ = 	snop  }
0x55: {  	[tilespmem:s30], [sflag:$0x1] =	stream.indirect_vreg.gather [hbm4b:s5+s2], $0x80, v3, vm0, $0xb8;
	[tilespmem:$0x19400] =	vst v63  }
0x56: {  	_ = 	snop  }
0x57: {  	[tilespmem:s7], [sflag:$0x1] =	stream.indirect_vreg.gather [hbm4b:s6+s2], $0x80, v3, vm0, $0xb8;
	[tilespmem:$0x19400] =	vst v63  }
0x58: {  	v3 =	vld [tilespmem:$0x30];
	_ =	sdelay $0x4  }
0x59: {  	v59 =	vshrl.u32 v3, $0x3  }
0x5a: {  	v4 =	vmul.u32 $0x30, v59  }
0x5b: {  	v3 =	vand.u32 $0x7, v3  }
0x5c: {  	v3 =	vor.u32 v3, v4  }
0x5d: {  	v4 =	vperm.xlane v3, v0;
	_ =	sdelay $0x1  }
0x5e: {  	v4 =	vadd.s32 v1, v4;
	_ =	sdelay $0x3  }
0x5f: {  	v3 =	vperm.xlane v3, v2  }
0x60: {  	[tilespmem:s0], [sflag:$0x1] =	stream.indirect_vreg.gather [hbm4b:s3+s2], $0x80, v4, vm0, $0xb8;
	[tilespmem:$0x19400] =	vst v63  }
0x61: {  	v3 =	vadd.s32 v1, v3  }
0x62: {  	[tilespmem:s4], [sflag:$0x1] =	stream.indirect_vreg.gather [hbm4b:s5+s2], $0x80, v4, vm0, $0xb8;
	[tilespmem:$0x19400] =	vst v63  }
0x63: {  	_ = 	snop  }
0x64: {  	[tilespmem:s11], [sflag:$0x1] =	stream.indirect_vreg.gather [hbm4b:s6+s2], $0x80, v4, vm0, $0xb8;
	[tilespmem:$0x19400] =	vst v63  }
0x65: {  	s20 =	simm.s32 $0xBC00  }
0x66: {  	[tilespmem:s20], [sflag:$0x1] =	stream.indirect_vreg.gather [hbm4b:s3+s2], $0x80, v3, vm0, $0xb8;
	[tilespmem:$0x19400] =	vst v63  }
0x67: {  	s21 =	simm.s32 $0xC400  }
0x68: {  	[tilespmem:s21], [sflag:$0x1] =	stream.indirect_vreg.gather [hbm4b:s5+s2], $0x80, v3, vm0, $0xb8;
	[tilespmem:$0x19400] =	vst v63  }
0x69: {  	s22 =	simm.s32 $0xCC00  }
0x6a: {  	[tilespmem:s22], [sflag:$0x1] =	stream.indirect_vreg.gather [hbm4b:s6+s2], $0x80, v3, vm0, $0xb8;
	[tilespmem:$0x19400] =	vst v63  }
0x6b: {  	_ =	swait.ge [sflag:s9], $0xC000  }
0x6c: {  	[sflag:s9] =	ssyncset.done $0x0  }
0x6d: {  	[sflag:s9] =	ssyncadd.s32 $0xFFFF4000  }
0x6e: {  	v3 =	vld [tilespmem:$0x80];
	_ =	sdelay $0x4  }
0x6f: {  	v60 =	vshrl.u32 v3, $0x3  }
0x70: {  	v4 =	vmul.u32 $0x30, v60  }
0x71: {  	v3 =	vand.u32 $0x7, v3  }
0x72: {  	v3 =	vor.u32 v3, v4  }
0x73: {  	v4 =	vperm.xlane v3, v0;
	_ =	sdelay $0x1  }
0x74: {  	v4 =	vadd.s32 v1, v4;
	_ =	sdelay $0x3  }
0x75: {  	v3 =	vperm.xlane v3, v2  }
0x76: {  	[tilespmem:s1], [sflag:$0x2] =	stream.indirect_vreg.gather [hbm4b:s3+s2], $0x80, v4, vm0, $0xb8;
	[tilespmem:$0x19400] =	vst v63  }
0x77: {  	s23 =	simm.s32 $0xDC00;
	v3 =	vadd.s32 v1, v3  }
0x78: {  	[tilespmem:s23], [sflag:$0x2] =	stream.indirect_vreg.gather [hbm4b:s5+s2], $0x80, v4, vm0, $0xb8;
	[tilespmem:$0x19400] =	vst v63  }
0x79: {  	s24 =	simm.s32 $0xE400  }
0x7a: {  	[tilespmem:s24], [sflag:$0x2] =	stream.indirect_vreg.gather [hbm4b:s6+s2], $0x80, v4, vm0, $0xb8;
	[tilespmem:$0x19400] =	vst v63  }
0x7b: {  	s25 =	simm.s32 $0xEC00  }
0x7c: {  	[tilespmem:s25], [sflag:$0x2] =	stream.indirect_vreg.gather [hbm4b:s3+s2], $0x80, v3, vm0, $0xb8;
	[tilespmem:$0x19400] =	vst v63  }
0x7d: {  	s26 =	simm.s32 $0xF400  }
0x7e: {  	[tilespmem:s26], [sflag:$0x2] =	stream.indirect_vreg.gather [hbm4b:s5+s2], $0x80, v3, vm0, $0xb8;
	[tilespmem:$0x19400] =	vst v63  }
0x7f: {  	s1 =	simm.s32 $0xFC00  }
0x80: {  	[tilespmem:s1], [sflag:$0x2] =	stream.indirect_vreg.gather [hbm4b:s6+s2], $0x80, v3, vm0, $0xb8;
	[tilespmem:$0x19400] =	vst v63  }
0x81: {  	v3 =	vld [tilespmem:$0x90];
	_ =	sdelay $0x4  }
0x82: {  	v61 =	vshrl.u32 v3, $0x3  }
0x83: {  	v4 =	vmul.u32 $0x30, v61  }
0x84: {  	v3 =	vand.u32 $0x7, v3  }
0x85: {  	v3 =	vor.u32 v3, v4  }
0x86: {  	v4 =	vperm.xlane v3, v0;
	_ =	sdelay $0x1  }
0x87: {  	v4 =	vadd.s32 v1, v4;
	_ =	sdelay $0x3  }
0x88: {  	s4 =	simm.s32 $0x10400;
	v3 =	vperm.xlane v3, v2  }
0x89: {  	[tilespmem:s4], [sflag:$0x2] =	stream.indirect_vreg.gather [hbm4b:s3+s2], $0x80, v4, vm0, $0xb8;
	[tilespmem:$0x19400] =	vst v63  }
0x8a: {  	s7 =	simm.s32 $0x10C00;
	v3 =	vadd.s32 v1, v3  }
0x8b: {  	[tilespmem:s7], [sflag:$0x2] =	stream.indirect_vreg.gather [hbm4b:s5+s2], $0x80, v4, vm0, $0xb8;
	[tilespmem:$0x19400] =	vst v63  }
0x8c: {  	s11 =	simm.s32 $0x11400  }
0x8d: {  	[tilespmem:s11], [sflag:$0x2] =	stream.indirect_vreg.gather [hbm4b:s6+s2], $0x80, v4, vm0, $0xb8;
	[tilespmem:$0x19400] =	vst v63  }
0x8e: {  	s13 =	simm.s32 $0x11C00  }
0x8f: {  	[tilespmem:s13], [sflag:$0x2] =	stream.indirect_vreg.gather [hbm4b:s3+s2], $0x80, v3, vm0, $0xb8;
	[tilespmem:$0x19400] =	vst v63  }
0x90: {  	s14 =	simm.s32 $0x12400  }
0x91: {  	[tilespmem:s14], [sflag:$0x2] =	stream.indirect_vreg.gather [hbm4b:s5+s2], $0x80, v3, vm0, $0xb8;
	[tilespmem:$0x19400] =	vst v63  }
0x92: {  	s16 =	simm.s32 $0x12C00  }
0x93: {  	[tilespmem:s16], [sflag:$0x2] =	stream.indirect_vreg.gather [hbm4b:s6+s2], $0x80, v3, vm0, $0xb8;
	[tilespmem:$0x19400] =	vst v63  }
0x94: {  	v3 =	vld [tilespmem:$0xA0];
	_ =	sdelay $0x4  }
0x95: {  	v62 =	vshrl.u32 v3, $0x3  }
0x96: {  	v4 =	vmul.u32 $0x30, v62  }
0x97: {  	v3 =	vand.u32 $0x7, v3  }
0x98: {  	v3 =	vor.u32 v3, v4  }
0x99: {  	v4 =	vperm.xlane v3, v0;
	_ =	sdelay $0x1  }
0x9a: {  	v4 =	vadd.s32 v1, v4;
	_ =	sdelay $0x3  }
0x9b: {  	s17 =	simm.s32 $0x13400;
	v3 =	vperm.xlane v3, v2  }
0x9c: {  	[tilespmem:s17], [sflag:$0x2] =	stream.indirect_vreg.gather [hbm4b:s3+s2], $0x80, v4, vm0, $0xb8;
	[tilespmem:$0x19400] =	vst v63  }
0x9d: {  	s18 =	simm.s32 $0x13C00;
	v3 =	vadd.s32 v1, v3  }
0x9e: {  	[tilespmem:s18], [sflag:$0x2] =	stream.indirect_vreg.gather [hbm4b:s5+s2], $0x80, v4, vm0, $0xb8;
	[tilespmem:$0x19400] =	vst v63  }
0x9f: {  	s19 =	simm.s32 $0x14400  }
0xa0: {  	[tilespmem:s19], [sflag:$0x2] =	stream.indirect_vreg.gather [hbm4b:s6+s2], $0x80, v4, vm0, $0xb8;
	[tilespmem:$0x19400] =	vst v63  }
0xa1: {  	s20 =	simm.s32 $0x14C00  }
0xa2: {  	[tilespmem:s20], [sflag:$0x2] =	stream.indirect_vreg.gather [hbm4b:s3+s2], $0x80, v3, vm0, $0xb8;
	[tilespmem:$0x19400] =	vst v63  }
0xa3: {  	s21 =	simm.s32 $0x15400  }
0xa4: {  	[tilespmem:s21], [sflag:$0x2] =	stream.indirect_vreg.gather [hbm4b:s5+s2], $0x80, v3, vm0, $0xb8;
	[tilespmem:$0x19400] =	vst v63  }
0xa5: {  	s22 =	simm.s32 $0x15C00  }
0xa6: {  	[tilespmem:s22], [sflag:$0x2] =	stream.indirect_vreg.gather [hbm4b:s6+s2], $0x80, v3, vm0, $0xb8;
	[tilespmem:$0x19400] =	vst v63  }
0xa7: {  	v3 =	vld [tilespmem:$0xB0];
	_ =	sdelay $0x4  }
0xa8: {  	v63 =	vshrl.u32 v3, $0x3  }
0xa9: {  	v4 =	vmul.u32 $0x30, v63  }
0xaa: {  	v3 =	vand.u32 $0x7, v3  }
0xab: {  	v3 =	vor.u32 v3, v4  }
0xac: {  	v4 =	vperm.xlane v3, v0;
	_ =	sdelay $0x1  }
0xad: {  	v4 =	vadd.s32 v1, v4;
	_ =	sdelay $0x3  }
0xae: {  	s28 =	simm.s32 $0x7C00;
	s29 =	simm.s32 $0x8400;
	s23 =	simm.s32 $0x16400;
	v3 =	vperm.xlane v3, v2  }
0xaf: {  	[tilespmem:s23], [sflag:$0x2] =	stream.indirect_vreg.gather [hbm4b:s3+s2], $0x80, v4, vm0, $0xb8;
	[tilespmem:$0x19400] =	vst v63  }
0xb0: {  	s30 =	simm.s32 $0x8C00;
	s0 =	simm.s32 $0xA400;
	s24 =	simm.s32 $0x16C00;
	v3 =	vadd.s32 v1, v3  }
0xb1: {  	[tilespmem:s24], [sflag:$0x2] =	stream.indirect_vreg.gather [hbm4b:s5+s2], $0x80, v4, vm0, $0xb8;
	[tilespmem:$0x19400] =	vst v63  }
0xb2: {  	s25 =	simm.s32 $0x17400;
	s26 =	rddreg [dreg:$0x6];
	s4 =	simm.s32 $0xAC00  }
0xb3: {  	[tilespmem:s25], [sflag:$0x2] =	stream.indirect_vreg.gather [hbm4b:s6+s2], $0x80, v4, vm0, $0xb8;
	[tilespmem:$0x19400] =	vst v63  }
0xb4: {  	s7 =	simm.s32 $0x1400;
	s11 =	simm.s32 $0xB400;
	s19 =	simm.s32 $0x17C00  }
0xb5: {  	[tilespmem:s19], [sflag:$0x2] =	stream.indirect_vreg.gather [hbm4b:s3+s2], $0x80, v3, vm0, $0xb8;
	[tilespmem:$0x19400] =	vst v63  }
0xb6: {  	s13 =	simm.s32 $0x1B0;
	s14 =	simm.s32 $0x0;
	s21 =	simm.s32 $0x18400  }
0xb7: {  	[tilespmem:s21], [sflag:$0x2] =	stream.indirect_vreg.gather [hbm4b:s5+s2], $0x80, v3, vm0, $0xb8;
	[tilespmem:$0x19400] =	vst v63  }
0xb8: {  	s16 =	simm.s32 $0x2400;
	s18 =	simm.s32 $0x3400;
	s23 =	simm.s32 $0x18C00  }
0xb9: {  	[tilespmem:s23], [sflag:$0x2] =	stream.indirect_vreg.gather [hbm4b:s6+s2], $0x80, v3, vm0, $0xb8;
	[tilespmem:$0x19400] =	vst v63  }
0xba: {  	s20 =	simm.s32 $0x4400;
	s22 =	simm.s32 $0x5400;
	s24 =	simm.s32 $0x6400  }
0xbb: {  	[hbm4b:s26+s2] =	stream.linear.scatter [tilespmem:s31], [sflag:$0x3], $0xC000, $0x38;
	[tilespmem:$0x19400] =	vst v63  }
0xbc: {  	s25 =	simm.s32 $0x6C00;
	s31 =	simm.s32 $0x9400;
	s26 =	simm.s32 $0x7400  }
.LBB2_2:
0xbd: {  	_ =	swait.ge [sflag:s8], $0xC000  }
0xbe: {  	[sflag:s8] =	ssyncset.done $0x0  }
0xbf: {  	[sflag:s8] =	ssyncadd.s32 $0xFFFF4000  }
0xc0: {  	_ =	swait.ge [sflag:s10], $0xC000  }
0xc1: {  	[sflag:s10] =	ssyncset.done $0x0  }
0xc2: {  	[sflag:s10] =	ssyncadd.s32 $0xFFFF4000  }
0xc3: {  	v3 =	vld [tilespmem:s13+$0xFFFFFF50];
	_ =	sdelay $0x4  }
0xc4: {  	v4 =	vshrl.u32 v3, $0x3  }
0xc5: {  	v4 =	vmul.u32 $0x30, v4  }
0xc6: {  	v3 =	vand.u32 $0x7, v3  }
0xc7: {  	v3 =	vor.u32 v3, v4  }
0xc8: {  	v4 =	vperm.xlane v3, v0;
	_ =	sdelay $0x1  }
0xc9: {  	v4 =	vadd.s32 v1, v4;
	_ =	sdelay $0x3  }
0xca: {  	v3 =	vperm.xlane v3, v2  }
0xcb: {  	[tilespmem:s7], [sflag:$0x1] =	stream.indirect_vreg.gather [hbm4b:s3+s2], $0x80, v4, vm0, $0xb8;
	[tilespmem:$0x19400] =	vst v63  }
0xcc: {  	v3 =	vadd.s32 v1, v3  }
0xcd: {  	[tilespmem:s15], [sflag:$0x1] =	stream.indirect_vreg.gather [hbm4b:s5+s2], $0x80, v4, vm0, $0xb8;
	[tilespmem:$0x19400] =	vst v63  }
0xce: {  	_ = 	snop  }
0xcf: {  	[tilespmem:s16], [sflag:$0x1] =	stream.indirect_vreg.gather [hbm4b:s6+s2], $0x80, v4, vm0, $0xb8;
	[tilespmem:$0x19400] =	vst v63  }
0xd0: {  	s1 =	simm.s32 $0x2C00  }
0xd1: {  	[tilespmem:s1], [sflag:$0x1] =	stream.indirect_vreg.gather [hbm4b:s3+s2], $0x80, v3, vm0, $0xb8;
	[tilespmem:$0x19400] =	vst v63  }
0xd2: {  	_ = 	snop  }
0xd3: {  	[tilespmem:s18], [sflag:$0x1] =	stream.indirect_vreg.gather [hbm4b:s5+s2], $0x80, v3, vm0, $0xb8;
	[tilespmem:$0x19400] =	vst v63  }
0xd4: {  	s17 =	simm.s32 $0x3C00  }
0xd5: {  	[tilespmem:s17], [sflag:$0x1] =	stream.indirect_vreg.gather [hbm4b:s6+s2], $0x80, v3, vm0, $0xb8;
	[tilespmem:$0x19400] =	vst v63  }
0xd6: {  	v3 =	vld [tilespmem:s13+$0xFFFFFF60];
	_ =	sdelay $0x4  }
0xd7: {  	v57 =	vshrl.u32 v3, $0x3  }
0xd8: {  	v4 =	vmul.u32 $0x30, v57  }
0xd9: {  	v3 =	vand.u32 $0x7, v3  }
0xda: {  	v3 =	vor.u32 v3, v4  }
0xdb: {  	v4 =	vperm.xlane v3, v0;
	_ =	sdelay $0x1  }
0xdc: {  	v4 =	vadd.s32 v1, v4;
	_ =	sdelay $0x3  }
0xdd: {  	v3 =	vperm.xlane v3, v2  }
0xde: {  	[tilespmem:s20], [sflag:$0x1] =	stream.indirect_vreg.gather [hbm4b:s3+s2], $0x80, v4, vm0, $0xb8;
	[tilespmem:$0x19400] =	vst v63  }
0xdf: {  	s15 =	simm.s32 $0x4C00;
	v3 =	vadd.s32 v1, v3  }
0xe0: {  	[tilespmem:s15], [sflag:$0x1] =	stream.indirect_vreg.gather [hbm4b:s5+s2], $0x80, v4, vm0, $0xb8;
	[tilespmem:$0x19400] =	vst v63  }
0xe1: {  	_ = 	snop  }
0xe2: {  	[tilespmem:s22], [sflag:$0x1] =	stream.indirect_vreg.gather [hbm4b:s6+s2], $0x80, v4, vm0, $0xb8;
	[tilespmem:$0x19400] =	vst v63  }
0xe3: {  	s17 =	simm.s32 $0x5C00  }
0xe4: {  	[tilespmem:s17], [sflag:$0x1] =	stream.indirect_vreg.gather [hbm4b:s3+s2], $0x80, v3, vm0, $0xb8;
	[tilespmem:$0x19400] =	vst v63  }
0xe5: {  	_ = 	snop  }
0xe6: {  	[tilespmem:s24], [sflag:$0x1] =	stream.indirect_vreg.gather [hbm4b:s5+s2], $0x80, v3, vm0, $0xb8;
	[tilespmem:$0x19400] =	vst v63  }
0xe7: {  	_ = 	snop  }
0xe8: {  	[tilespmem:s25], [sflag:$0x1] =	stream.indirect_vreg.gather [hbm4b:s6+s2], $0x80, v3, vm0, $0xb8;
	[tilespmem:$0x19400] =	vst v63  }
0xe9: {  	v3 =	vld [tilespmem:s13+$0xFFFFFF70];
	_ =	sdelay $0x4  }
0xea: {  	v58 =	vshrl.u32 v3, $0x3  }
0xeb: {  	v4 =	vmul.u32 $0x30, v58  }
0xec: {  	v3 =	vand.u32 $0x7, v3  }
0xed: {  	v3 =	vor.u32 v3, v4  }
0xee: {  	v4 =	vperm.xlane v3, v0;
	_ =	sdelay $0x1  }
0xef: {  	v4 =	vadd.s32 v1, v4;
	_ =	sdelay $0x3  }
0xf0: {  	v3 =	vperm.xlane v3, v2  }
0xf1: {  	[tilespmem:s26], [sflag:$0x1] =	stream.indirect_vreg.gather [hbm4b:s3+s2], $0x80, v4, vm0, $0xb8;
	[tilespmem:$0x19400] =	vst v63  }
0xf2: {  	v3 =	vadd.s32 v1, v3  }
0xf3: {  	[tilespmem:s28], [sflag:$0x1] =	stream.indirect_vreg.gather [hbm4b:s5+s2], $0x80, v4, vm0, $0xb8;
	[tilespmem:$0x19400] =	vst v63  }
0xf4: {  	_ = 	snop  }
0xf5: {  	[tilespmem:s29], [sflag:$0x1] =	stream.indirect_vreg.gather [hbm4b:s6+s2], $0x80, v4, vm0, $0xb8;
	[tilespmem:$0x19400] =	vst v63  }
0xf6: {  	_ = 	snop  }
0xf7: {  	[tilespmem:s30], [sflag:$0x1] =	stream.indirect_vreg.gather [hbm4b:s3+s2], $0x80, v3, vm0, $0xb8;
	[tilespmem:$0x19400] =	vst v63  }
0xf8: {  	_ = 	snop  }
0xf9: {  	[tilespmem:s31], [sflag:$0x1] =	stream.indirect_vreg.gather [hbm4b:s5+s2], $0x80, v3, vm0, $0xb8;
	[tilespmem:$0x19400] =	vst v63  }
0xfa: {  	s15 =	simm.s32 $0x9C00  }
0xfb: {  	[tilespmem:s15], [sflag:$0x1] =	stream.indirect_vreg.gather [hbm4b:s6+s2], $0x80, v3, vm0, $0xb8;
	[tilespmem:$0x19400] =	vst v63  }
0xfc: {  	v3 =	vld [tilespmem:s13+$0xFFFFFF80];
	_ =	sdelay $0x4  }
0xfd: {  	v59 =	vshrl.u32 v3, $0x3  }
0xfe: {  	v4 =	vmul.u32 $0x30, v59  }
0xff: {  	v3 =	vand.u32 $0x7, v3  }
0x100: {  	v3 =	vor.u32 v3, v4  }
0x101: {  	v4 =	vperm.xlane v3, v0;
	_ =	sdelay $0x1  }
0x102: {  	v4 =	vadd.s32 v1, v4;
	_ =	sdelay $0x3  }
0x103: {  	v3 =	vperm.xlane v3, v2  }
0x104: {  	[tilespmem:s0], [sflag:$0x1] =	stream.indirect_vreg.gather [hbm4b:s3+s2], $0x80, v4, vm0, $0xb8;
	[tilespmem:$0x19400] =	vst v63  }
0x105: {  	v3 =	vadd.s32 v1, v3  }
0x106: {  	[tilespmem:s4], [sflag:$0x1] =	stream.indirect_vreg.gather [hbm4b:s5+s2], $0x80, v4, vm0, $0xb8;
	[tilespmem:$0x19400] =	vst v63  }
0x107: {  	_ = 	snop  }
0x108: {  	[tilespmem:s11], [sflag:$0x1] =	stream.indirect_vreg.gather [hbm4b:s6+s2], $0x80, v4, vm0, $0xb8;
	[tilespmem:$0x19400] =	vst v63  }
0x109: {  	s17 =	simm.s32 $0xBC00  }
0x10a: {  	[tilespmem:s17], [sflag:$0x1] =	stream.indirect_vreg.gather [hbm4b:s3+s2], $0x80, v3, vm0, $0xb8;
	[tilespmem:$0x19400] =	vst v63  }
0x10b: {  	s15 =	simm.s32 $0xC400  }
0x10c: {  	[tilespmem:s15], [sflag:$0x1] =	stream.indirect_vreg.gather [hbm4b:s5+s2], $0x80, v3, vm0, $0xb8;
	[tilespmem:$0x19400] =	vst v63  }
0x10d: {  	s17 =	simm.s32 $0xCC00;
	s15 =	rddreg [dreg:$0x4]  }
0x10e: {  	[tilespmem:s17], [sflag:$0x1] =	stream.indirect_vreg.gather [hbm4b:s6+s2], $0x80, v3, vm0, $0xb8;
	[tilespmem:$0x19400] =	vst v63  }
0x10f: {  	s15 =	sadd.s32 s14, s15;
	s17 =	simm.s32 $0xD400  }
0x110: {  	[hbm4b:s15+s2] =	stream.linear.scatter [tilespmem:s17], [sflag:$0x4], $0xC000, $0x38;
	[tilespmem:$0x19400] =	vst v63  }
0x111: {  	_ =	swait.ge [sflag:s9], $0xC000  }
0x112: {  	[sflag:s9] =	ssyncset.done $0x0  }
0x113: {  	[sflag:s9] =	ssyncadd.s32 $0xFFFF4000  }
0x114: {  	_ =	swait.ge [sflag:s12], $0xC000  }
0x115: {  	[sflag:s12] =	ssyncset.done $0x0  }
0x116: {  	[sflag:s12] =	ssyncadd.s32 $0xFFFF4000  }
0x117: {  	v3 =	vld [tilespmem:s13+$0xFFFFFFD0];
	_ =	sdelay $0x4  }
0x118: {  	v60 =	vshrl.u32 v3, $0x3  }
0x119: {  	v4 =	vmul.u32 $0x30, v60  }
0x11a: {  	v3 =	vand.u32 $0x7, v3  }
0x11b: {  	v3 =	vor.u32 v3, v4  }
0x11c: {  	v4 =	vperm.xlane v3, v0;
	_ =	sdelay $0x1  }
0x11d: {  	v4 =	vadd.s32 v1, v4;
	_ =	sdelay $0x3  }
0x11e: {  	v3 =	vperm.xlane v3, v2  }
0x11f: {  	[tilespmem:s17], [sflag:$0x2] =	stream.indirect_vreg.gather [hbm4b:s3+s2], $0x80, v4, vm0, $0xb8;
	[tilespmem:$0x19400] =	vst v63  }
0x120: {  	v3 =	vadd.s32 v1, v3;
	s17 =	simm.s32 $0xDC00  }
0x121: {  	[tilespmem:s17], [sflag:$0x2] =	stream.indirect_vreg.gather [hbm4b:s5+s2], $0x80, v4, vm0, $0xb8;
	[tilespmem:$0x19400] =	vst v63  }
0x122: {  	s17 =	simm.s32 $0xE400  }
0x123: {  	[tilespmem:s17], [sflag:$0x2] =	stream.indirect_vreg.gather [hbm4b:s6+s2], $0x80, v4, vm0, $0xb8;
	[tilespmem:$0x19400] =	vst v63  }
0x124: {  	s17 =	simm.s32 $0xEC00  }
0x125: {  	[tilespmem:s17], [sflag:$0x2] =	stream.indirect_vreg.gather [hbm4b:s3+s2], $0x80, v3, vm0, $0xb8;
	[tilespmem:$0x19400] =	vst v63  }
0x126: {  	s17 =	simm.s32 $0xF400  }
0x127: {  	[tilespmem:s17], [sflag:$0x2] =	stream.indirect_vreg.gather [hbm4b:s5+s2], $0x80, v3, vm0, $0xb8;
	[tilespmem:$0x19400] =	vst v63  }
0x128: {  	s17 =	simm.s32 $0xFC00  }
0x129: {  	[tilespmem:s17], [sflag:$0x2] =	stream.indirect_vreg.gather [hbm4b:s6+s2], $0x80, v3, vm0, $0xb8;
	[tilespmem:$0x19400] =	vst v63  }
0x12a: {  	v3 =	vld [tilespmem:s13+$0xFFFFFFE0];
	_ =	sdelay $0x4  }
0x12b: {  	v61 =	vshrl.u32 v3, $0x3  }
0x12c: {  	v4 =	vmul.u32 $0x30, v61  }
0x12d: {  	v3 =	vand.u32 $0x7, v3  }
0x12e: {  	v3 =	vor.u32 v3, v4  }
0x12f: {  	v4 =	vperm.xlane v3, v0;
	_ =	sdelay $0x1  }
0x130: {  	v4 =	vadd.s32 v1, v4;
	_ =	sdelay $0x3  }
0x131: {  	s17 =	simm.s32 $0x10400;
	v3 =	vperm.xlane v3, v2  }
0x132: {  	[tilespmem:s17], [sflag:$0x2] =	stream.indirect_vreg.gather [hbm4b:s3+s2], $0x80, v4, vm0, $0xb8;
	[tilespmem:$0x19400] =	vst v63  }
0x133: {  	v3 =	vadd.s32 v1, v3;
	s17 =	simm.s32 $0x10C00  }
0x134: {  	[tilespmem:s17], [sflag:$0x2] =	stream.indirect_vreg.gather [hbm4b:s5+s2], $0x80, v4, vm0, $0xb8;
	[tilespmem:$0x19400] =	vst v63  }
0x135: {  	s17 =	simm.s32 $0x11400  }
0x136: {  	[tilespmem:s17], [sflag:$0x2] =	stream.indirect_vreg.gather [hbm4b:s6+s2], $0x80, v4, vm0, $0xb8;
	[tilespmem:$0x19400] =	vst v63  }
0x137: {  	s17 =	simm.s32 $0x11C00  }
0x138: {  	[tilespmem:s17], [sflag:$0x2] =	stream.indirect_vreg.gather [hbm4b:s3+s2], $0x80, v3, vm0, $0xb8;
	[tilespmem:$0x19400] =	vst v63  }
0x139: {  	s17 =	simm.s32 $0x12400  }
0x13a: {  	[tilespmem:s17], [sflag:$0x2] =	stream.indirect_vreg.gather [hbm4b:s5+s2], $0x80, v3, vm0, $0xb8;
	[tilespmem:$0x19400] =	vst v63  }
0x13b: {  	s17 =	simm.s32 $0x12C00  }
0x13c: {  	[tilespmem:s17], [sflag:$0x2] =	stream.indirect_vreg.gather [hbm4b:s6+s2], $0x80, v3, vm0, $0xb8;
	[tilespmem:$0x19400] =	vst v63  }
0x13d: {  	v3 =	vld [tilespmem:s13+$0xFFFFFFF0];
	_ =	sdelay $0x4  }
0x13e: {  	v62 =	vshrl.u32 v3, $0x3  }
0x13f: {  	v4 =	vmul.u32 $0x30, v62  }
0x140: {  	v3 =	vand.u32 $0x7, v3  }
0x141: {  	v3 =	vor.u32 v3, v4  }
0x142: {  	v4 =	vperm.xlane v3, v0;
	_ =	sdelay $0x1  }
0x143: {  	v4 =	vadd.s32 v1, v4;
	_ =	sdelay $0x3  }
0x144: {  	s17 =	simm.s32 $0x13400;
	v3 =	vperm.xlane v3, v2  }
0x145: {  	[tilespmem:s17], [sflag:$0x2] =	stream.indirect_vreg.gather [hbm4b:s3+s2], $0x80, v4, vm0, $0xb8;
	[tilespmem:$0x19400] =	vst v63  }
0x146: {  	v3 =	vadd.s32 v1, v3;
	s17 =	simm.s32 $0x13C00  }
0x147: {  	[tilespmem:s17], [sflag:$0x2] =	stream.indirect_vreg.gather [hbm4b:s5+s2], $0x80, v4, vm0, $0xb8;
	[tilespmem:$0x19400] =	vst v63  }
0x148: {  	s17 =	simm.s32 $0x14400  }
0x149: {  	[tilespmem:s17], [sflag:$0x2] =	stream.indirect_vreg.gather [hbm4b:s6+s2], $0x80, v4, vm0, $0xb8;
	[tilespmem:$0x19400] =	vst v63  }
0x14a: {  	s17 =	simm.s32 $0x14C00  }
0x14b: {  	[tilespmem:s17], [sflag:$0x2] =	stream.indirect_vreg.gather [hbm4b:s3+s2], $0x80, v3, vm0, $0xb8;
	[tilespmem:$0x19400] =	vst v63  }
0x14c: {  	s17 =	simm.s32 $0x15400  }
0x14d: {  	[tilespmem:s17], [sflag:$0x2] =	stream.indirect_vreg.gather [hbm4b:s5+s2], $0x80, v3, vm0, $0xb8;
	[tilespmem:$0x19400] =	vst v63  }
0x14e: {  	s17 =	simm.s32 $0x15C00  }
0x14f: {  	[tilespmem:s17], [sflag:$0x2] =	stream.indirect_vreg.gather [hbm4b:s6+s2], $0x80, v3, vm0, $0xb8;
	[tilespmem:$0x19400] =	vst v63  }
0x150: {  	v3 =	vld [tilespmem:s13+$0x0];
	_ =	sdelay $0x4  }
0x151: {  	v63 =	vshrl.u32 v3, $0x3  }
0x152: {  	v4 =	vmul.u32 $0x30, v63  }
0x153: {  	v3 =	vand.u32 $0x7, v3  }
0x154: {  	v3 =	vor.u32 v3, v4  }
0x155: {  	v4 =	vperm.xlane v3, v0;
	_ =	sdelay $0x1  }
0x156: {  	v4 =	vadd.s32 v1, v4;
	_ =	sdelay $0x3  }
0x157: {  	s17 =	simm.s32 $0x16400;
	v3 =	vperm.xlane v3, v2  }
0x158: {  	[tilespmem:s17], [sflag:$0x2] =	stream.indirect_vreg.gather [hbm4b:s3+s2], $0x80, v4, vm0, $0xb8;
	[tilespmem:$0x19400] =	vst v63  }
0x159: {  	v3 =	vadd.s32 v1, v3;
	s17 =	simm.s32 $0x16C00  }
0x15a: {  	[tilespmem:s17], [sflag:$0x2] =	stream.indirect_vreg.gather [hbm4b:s5+s2], $0x80, v4, vm0, $0xb8;
	[tilespmem:$0x19400] =	vst v63  }
0x15b: {  	s17 =	simm.s32 $0x17400  }
0x15c: {  	[tilespmem:s17], [sflag:$0x2] =	stream.indirect_vreg.gather [hbm4b:s6+s2], $0x80, v4, vm0, $0xb8;
	[tilespmem:$0x19400] =	vst v63  }
0x15d: {  	_ = 	snop  }
0x15e: {  	[tilespmem:s19], [sflag:$0x2] =	stream.indirect_vreg.gather [hbm4b:s3+s2], $0x80, v3, vm0, $0xb8;
	[tilespmem:$0x19400] =	vst v63  }
0x15f: {  	p0 =	sne.s32 s14, $0x36000  }
0x160: {  	[tilespmem:s21], [sflag:$0x2] =	stream.indirect_vreg.gather [hbm4b:s5+s2], $0x80, v3, vm0, $0xb8;
	[tilespmem:$0x19400] =	vst v63  }
.Ltmp0:
0x161: {  	s17 =	rddreg [dreg:$0x3];
	(pc) =	sbr.rel @p0 .LBB2_2-.Ltmp0, $4  }
0x162: {  	[tilespmem:s23], [sflag:$0x2] =	stream.indirect_vreg.gather [hbm4b:s6+s2], $0x80, v3, vm0, $0xb8;
	[tilespmem:$0x19400] =	vst v63  }
0x163: {  	s1 =	simm.s32 $0xD400;
	s15 =	sadd.s32 s14, s17  }
0x164: {  	[hbm4b:s15+s2] =	stream.linear.scatter [tilespmem:s7], [sflag:$0x3], $0xC000, $0x38;
	[tilespmem:$0x19400] =	vst v63  }
0x165: {  	s13 =	sadd.s32 $0x100, s13;
	s14 =	sadd.s32 $0x3000, s14;
	s15 =	simm.s32 $0x1C00  }
0x166: {  	_ =	swait.ge [sflag:s8], $0xC000  }
0x167: {  	[sflag:s8] =	ssyncset.done $0x0  }
0x168: {  	[sflag:s8] =	ssyncadd.s32 $0xFFFF4000  }
0x169: {  	_ =	swait.ge [sflag:s10], $0xC000  }
0x16a: {  	s14 =	simm.s32 $0x2400;
	[sflag:s10] =	ssyncset.done $0x0  }
0x16b: {  	s16 =	simm.s32 $0x2C00;
	s13 =	rddreg [dreg:$0x7];
	[sflag:s10] =	ssyncadd.s32 $0xFFFF4000  }
0x16c: {  	[hbm4b:s13+s2] =	stream.linear.scatter [tilespmem:s1], [sflag:$0x4], $0xC000, $0x38;
	[tilespmem:$0x19400] =	vst v63  }
0x16d: {  	s17 =	simm.s32 $0x3400;
	s18 =	simm.s32 $0x3C00;
	_ =	swait.ge [sflag:s12], $0xC000  }
0x16e: {  	s19 =	simm.s32 $0x4400;
	s20 =	simm.s32 $0x4C00;
	s0 =	rddreg [dreg:$0x9]  }
0x16f: {  	s21 =	simm.s32 $0x5400;
	s26 =	rddreg [dreg:$0x8];
	s0 =	sadd.s32 $0x1, s0  }
0x170: {  	s22 =	simm.s32 $0x5C00;
	s23 =	simm.s32 $0x6400;
	p0 =	sne.s32 s0, s26  }
.Ltmp1:
0x171: {  	s24 =	simm.s32 $0x6C00;
	s25 =	simm.s32 $0x7400;
	(pc) =	sbr.rel @p0 .LBB2_1-.Ltmp1, $4  }
0x172: {  	s28 =	simm.s32 $0x8400;
	s29 =	simm.s32 $0x8C00;
	s30 =	simm.s32 $0x9400  }
0x173: {  	s7 =	simm.s32 $0x9C00;
	s4 =	simm.s32 $0xAC00;
	[sflag:s12] =	ssyncset.done $0x0  }
0x174: {  	s11 =	simm.s32 $0xB400;
	s31 =	simm.s32 $0x1400;
	[sflag:s12] =	ssyncadd.s32 $0xFFFF4000  }
0x175: {  	[dreg:$0x9] =	wrdreg s0;
	s26 =	simm.s32 $0x7C00;
	s0 =	simm.s32 $0xA400  }
0x176: {  	_ =	sfence.sel $0x180000  }
0x177: {  	[bflag:$0x0] =	sbarrier.arrive $0xFFFF  }
0x178: {  	_ =	strace $0x90000047  }
0x179: {  	s0 =	stileid.u32;
	[bflag:$0x2] =	sbarrier.arrive $0xFFFF  }
0x17a: {  	p0 =	sne.s32 s0, $0x0;
	s0 =	rddreg [dreg:$0x2]  }
0x17b: {  	s0 =	sadd.s32 @!p0 $0x100000, s0  }
0x17c: {  	[sflag:s0] =	ssyncadd.tile.s32 @!p0 $0x1;
	_ =	shalt  }
.Lfunc_end2:
_tile_overlayer_lowered:
.L_overlay_start_2:
0x17d: {  	(tag) =	ssettag $0x2  }
0x17e: {  	s0 =	rddreg [dreg:$0x0];
	s2 =	stileid.u32  }
0x17f: {  	s1 =	rddreg [dreg:$0x1];
	p0 =	sne.s32 s2, $0x0  }
0x180: {  	s3 =	rddreg [dreg:$0x2];
	[bflag:$0x3] =	sbarrier.arrive $0xFFFF;
	s2 =	simm.s32 @!p0 $0x1C05  }
0x181: {  	[timem:s3], [sflag:s2] =	dma.local @!p0 [hbm:s0], s1  }
0x182: {  	s0 =	simm.s32 @!p0 $0x5  }
0x183: {  	_ =	swait.ge @!p0 [sflag:s0], s1  }
0x184: {  	s1 =	ssub.s32 @!p0 $0x0, s1;
	[sflag:s0] =	ssyncset.done @!p0 $0x0  }
0x185: {  	[sflag:s0] =	ssyncadd.s32 @!p0 s1  }
0x186: {  	[bflag:$0x3] =	sbarrier.arrive $0xFFFF  }
0x187: {  	_ =	shalt  }

</sc_bundles>
